<compile_context>
chip_gen: v7x
topology: tpu7x:2x2x1
jax: 0.10.2.dev20260603
libtpu: 0.0.44.dev20260713+nightly
codegen_flags: <defaults>
</compile_context>

<pallas_src>
import functools
import jax
import jax.numpy as jnp
from jax import lax
from jax.experimental import pallas as pl
from jax.experimental.pallas import tpu as pltpu
from jax.experimental.pallas import tpu_sc as plsc

N = 10000
E = 320000
C = 128
H = 256
L = 128
EB = 1280
NB = 1000

GW = 32
EPW = E // GW
CH = 200
NCH = EPW // CH


def _gather_body(x_hbm, row_hbm, col_hbm, xg_hbm, ea_hbm,
                 idxr_v, idxc_v, rows_v, crows_v, ea_v, sem):
    wid = lax.axis_index("s") * 2 + lax.axis_index("c")
    base = wid * EPW

    def chunk(k, carry):
        off = base + k * CH
        pltpu.sync_copy(row_hbm.at[pl.ds(off, CH)], idxr_v)
        pltpu.sync_copy(col_hbm.at[pl.ds(off, CH)], idxc_v)
        pltpu.async_copy(x_hbm.at[idxr_v], rows_v, sem).wait()
        pltpu.async_copy(x_hbm.at[idxc_v], crows_v, sem).wait()

        def ea_row(r, c2):
            d = rows_v[r, pl.ds(0, 16)] - crows_v[r, pl.ds(0, 16)]
            d = jnp.where(d > 0.5, d - 1.0, d)
            d = jnp.where(-d > 0.5, d + 1.0, d)
            ea_v[r, pl.ds(0, 16)] = d
            return c2

        lax.fori_loop(0, CH, ea_row, 0)
        pltpu.sync_copy(rows_v, xg_hbm.at[pl.ds(off, CH)])
        pltpu.sync_copy(ea_v, ea_hbm.at[pl.ds(off, CH)])
        return carry

    lax.fori_loop(0, NCH, chunk, 0)


def _edge_mlp_kernel(xg_ref, ea_ref,
                     w1a_ref, w1b_ref, b1_ref, w2_ref, b2_ref, w3_ref, b3_ref,
                     out_ref):
    feat = xg_ref[...]
    ea = ea_ref[...]
    h = jnp.dot(feat, w1a_ref[...], preferred_element_type=jnp.float32)
    h = h + jnp.dot(ea, w1b_ref[...], preferred_element_type=jnp.float32)
    h = jax.nn.relu(h + b1_ref[...])
    h = jax.nn.relu(jnp.dot(h, w2_ref[...], preferred_element_type=jnp.float32)
                    + b2_ref[...])
    out_ref[...] = (jnp.dot(h, w3_ref[...], preferred_element_type=jnp.float32)
                    + b3_ref[...])


def _segment_kernel(col_ref, val_ref,
                    s0, s1, s2, s3, m0, m1, m2, m3,
                    c0, c1):
    s_refs = (s0, s1, s2, s3)
    m_refs = (m0, m1, m2, m3)
    c_refs = (c0, c1)

    @pl.when(pl.program_id(0) == 0)
    def _():
        for r in s_refs:
            r[...] = jnp.zeros_like(r)
        for r in m_refs:
            r[...] = jnp.full_like(r, -3.0e38)
        def zinit(n, _):
            for r in c_refs:
                r[0, n] = 0
            return 0

        lax.fori_loop(0, N, zinit, 0)

    def body(i, _):
        for j in range(4):
            e = i * 4 + j
            c = col_ref[0, e]
            v = val_ref[pl.ds(e, 1), :]
            s_refs[j][pl.ds(c, 1), :] += v
            m_refs[j][pl.ds(c, 1), :] = jnp.maximum(m_refs[j][pl.ds(c, 1), :], v)
            c_refs[j % 2][0, c] += 1
        return 0

    lax.fori_loop(0, EB // 4, body, 0)


def _node_mlp_kernel(x_ref, s0, s1, s2, s3, m0, m1, m2, m3,
                     c0, c1,
                     wa_ref, wb_ref, wc_ref, wd_ref, b1_ref,
                     w2_ref, b2_ref, w3_ref, b3_ref, out_ref):
    cnt = (c0[...] + c1[...]).astype(jnp.float32)
    s = (s0[...] + s1[...]) + (s2[...] + s3[...])
    mraw = jnp.maximum(jnp.maximum(m0[...], m1[...]),
                       jnp.maximum(m2[...], m3[...]))
    mean = s / jnp.maximum(cnt, 1.0)
    mx = jnp.where(cnt > 0, mraw, 0.0)
    h = jnp.dot(x_ref[...], wa_ref[...], preferred_element_type=jnp.float32)
    h = h + jnp.dot(mean, wb_ref[...], preferred_element_type=jnp.float32)
    h = h + jnp.dot(mx, wc_ref[...], preferred_element_type=jnp.float32)
    h = h + jnp.dot(s, wd_ref[...], preferred_element_type=jnp.float32)
    h = jax.nn.relu(h + b1_ref[...])
    h = jax.nn.relu(jnp.dot(h, w2_ref[...], preferred_element_type=jnp.float32)
                    + b2_ref[...])
    out_ref[...] = (jnp.dot(h, w3_ref[...], preferred_element_type=jnp.float32)
                    + b3_ref[...])


def kernel(x, edge_index, edge_attr, u, batch,
           m1_w1, m1_b1, m1_w2, m1_b2, m1_w3, m1_b3,
           m2_w1, m2_b1, m2_w2, m2_b2, m2_w3, m2_b3):
    row = edge_index[0]
    col = edge_index[1]
    w1a = m1_w1[:C]
    w1b = jnp.pad(m1_w1[C:], ((0, 13), (0, 0)))

    gather = functools.partial(
        pl.kernel,
        out_type=[jax.ShapeDtypeStruct((E, C), jnp.float32),
                  jax.ShapeDtypeStruct((E, 16), jnp.float32)],
        mesh=plsc.VectorSubcoreMesh(core_axis_name="c", subcore_axis_name="s"),
        scratch_types=[pltpu.VMEM((CH,), jnp.int32),
                       pltpu.VMEM((CH,), jnp.int32),
                       pltpu.VMEM((CH, C), jnp.float32),
                       pltpu.VMEM((CH, C), jnp.float32),
                       pltpu.VMEM((CH, 16), jnp.float32),
                       pltpu.SemaphoreType.DMA],
    )(_gather_body)
    xg, ea = gather(x, row, col)

    full = lambda shape: pl.BlockSpec(shape, lambda i: (0,) * len(shape))
    grid_e = E // EB

    out_e = pl.pallas_call(
        _edge_mlp_kernel,
        grid=(grid_e,),
        in_specs=[
            pl.BlockSpec((EB, C), lambda i: (i, 0)),
            pl.BlockSpec((EB, 16), lambda i: (i, 0)),
            full((C, H)), full((16, H)), full((1, H)),
            full((H, H)), full((1, H)), full((H, L)), full((1, L)),
        ],
        out_specs=pl.BlockSpec((EB, L), lambda i: (i, 0)),
        out_shape=jax.ShapeDtypeStruct((E, L), jnp.float32),
    )(xg, ea, w1a, w1b, m1_b1.reshape(1, H),
      m1_w2, m1_b2.reshape(1, H), m1_w3, m1_b3.reshape(1, L))

    segs = pl.pallas_call(
        _segment_kernel,
        grid=(grid_e,),
        in_specs=[
            pl.BlockSpec((1, EB), lambda i: (0, i), memory_space=pltpu.SMEM),
            pl.BlockSpec((EB, L), lambda i: (i, 0)),
        ],
        out_specs=[full((N, L))] * 8
        + [pl.BlockSpec((1, N), lambda i: (0, 0),
                        memory_space=pltpu.SMEM)] * 2,
        out_shape=[jax.ShapeDtypeStruct((N, L), jnp.float32)] * 8
        + [jax.ShapeDtypeStruct((1, N), jnp.int32)] * 2,
    )(col.reshape(1, E), out_e)
    cnts = [c.reshape(N, 1) for c in segs[8:]]

    grid_n = N // NB
    out_n = pl.pallas_call(
        _node_mlp_kernel,
        grid=(grid_n,),
        in_specs=[
            pl.BlockSpec((NB, C), lambda i: (i, 0)),
        ] + [pl.BlockSpec((NB, L), lambda i: (i, 0))] * 8 + [
            pl.BlockSpec((NB, 1), lambda i: (i, 0))] * 2 + [
            full((C, H)), full((L, H)), full((L, H)), full((L, H)), full((1, H)),
            full((H, H)), full((1, H)), full((H, L)), full((1, L)),
        ],
        out_specs=pl.BlockSpec((NB, L), lambda i: (i, 0)),
        out_shape=jax.ShapeDtypeStruct((N, L), jnp.float32),
    )(x, *segs[:8], *cnts,
      m2_w1[:C], m2_w1[C:C + L], m2_w1[C + L:C + 2 * L], m2_w1[C + 2 * L:],
      m2_b1.reshape(1, H), m2_w2, m2_b2.reshape(1, H),
      m2_w3, m2_b3.reshape(1, L))

    return jnp.concatenate([x[:, :3], out_n], axis=1)

# --- scband reference (transcript-rebuilt; emitter-appended) ---
"""Pipeline reference for scband-node-model-90864328114736 (READ-ONLY COPY).

The authoritative reference and input builder live on the scoring server;
editing this copy changes nothing except your own understanding.
"""

import jax, jax.numpy as jnp
import numpy as np

LINK_R = 0.5
N, E, C = 10000, 320000, 128
H, L = 256, 128
INCHAN = C + 3          # only_positions=True: in_channels + 3
SECCHAN = 3 * L + C     # only_positions=True: 3*latent + in_channels


def _mlp(h, w1, b1, w2, b2, w3, b3):
    h = jax.nn.relu(h @ w1 + b1)
    h = jax.nn.relu(h @ w2 + b2)
    return h @ w3 + b3


def setup_inputs(seed: int = 0) -> dict:
    key = jax.random.key(seed)
    ks = jax.random.split(key, 16)
    x = jax.random.uniform(ks[0], (N, C), dtype=jnp.float32)
    edge_index = jax.random.randint(ks[1], (2, E), 0, N, dtype=jnp.int32)
    edge_attr = jax.random.normal(ks[2], (E, 3), dtype=jnp.float32)
    u = jax.random.normal(ks[3], (1, 16), dtype=jnp.float32)
    batch = jnp.zeros((N,), dtype=jnp.int32)
    s = 0.02
    params = {
        'm1_w1': jax.random.normal(ks[4], (INCHAN, H)) * s, 'm1_b1': jnp.zeros((H,)),
        'm1_w2': jax.random.normal(ks[5], (H, H)) * s, 'm1_b2': jnp.zeros((H,)),
        'm1_w3': jax.random.normal(ks[6], (H, L)) * s, 'm1_b3': jnp.zeros((L,)),
        'm2_w1': jax.random.normal(ks[7], (SECCHAN, H)) * s, 'm2_b1': jnp.zeros((H,)),
        'm2_w2': jax.random.normal(ks[8], (H, H)) * s, 'm2_b2': jnp.zeros((H,)),
        'm2_w3': jax.random.normal(ks[9], (H, L)) * s, 'm2_b3': jnp.zeros((L,)),
    }
    inp = {'x': x, 'edge_index': edge_index, 'edge_attr': edge_attr, 'u': u, 'batch': batch}
    inp.update(params)
    return inp


def reference(x, edge_index, edge_attr, u, batch,
              m1_w1, m1_b1, m1_w2, m1_b2, m1_w3, m1_b3,
              m2_w1, m2_b1, m2_w2, m2_b2, m2_w3, m2_b3):
    row, col = edge_index[0], edge_index[1]
    # edge_attr is recomputed from positions (first 3 dims of x), periodic wrap
    ea = x[row, :3] - x[col, :3]
    ea = jnp.where(ea > LINK_R, ea - 1.0, ea)
    ea = jnp.where(-ea > LINK_R, ea + 1.0, ea)
    # only_positions=True branch
    out = jnp.concatenate([x[row], ea], axis=1)
    out = _mlp(out, m1_w1, m1_b1, m1_w2, m1_b2, m1_w3, m1_b3)
    n = x.shape[0]
    s = jax.ops.segment_sum(out, col, num_segments=n)
    cnt = jax.ops.segment_sum(jnp.ones((out.shape[0], 1), out.dtype), col, num_segments=n)
    mean = s / jnp.maximum(cnt, 1.0)
    mx = jax.ops.segment_max(out, col, num_segments=n)
    mx = jnp.where(cnt > 0, mx, 0.0)
    out = jnp.concatenate([x, mean, mx, s], axis=1)
    out = _mlp(out, m2_w1, m2_b1, m2_w2, m2_b2, m2_w3, m2_b3)
    return jnp.concatenate([x[:, :3], out], axis=1)

if __name__ == "__main__":
    import jax
    _d = setup_inputs()
    print(jax.jit(kernel)(*tuple(_d.values())))

</pallas_src>

<mosaic_0001>
#map = affine_map<(d0, d1) -> (0, 0)>
#map1 = affine_map<(d0, d1) -> (0)>
module attributes {stable_mosaic.version = 14 : i64} {
  func.func @_gather_body(%arg0: i32, %arg1: i32, %arg2: memref<10000x128xf32, #tpu.memory_space<hbm>>, %arg3: memref<320000xi32, #tpu.memory_space<hbm>>, %arg4: memref<320000xi32, #tpu.memory_space<hbm>>, %arg5: memref<320000x128xf32, #tpu.memory_space<hbm>>, %arg6: memref<320000x16xf32, #tpu.memory_space<hbm>>, %arg7: memref<200xi32, #tpu.memory_space<vmem>>, %arg8: memref<200xi32, #tpu.memory_space<vmem>>, %arg9: memref<200x128xf32, #tpu.memory_space<vmem>>, %arg10: memref<200x128xf32, #tpu.memory_space<vmem>>, %arg11: memref<200x16xf32, #tpu.memory_space<vmem>>, %arg12: memref<!tpu.dma_semaphore, #tpu.memory_space<semaphore_mem>>) attributes {dimension_semantics = [#tpu.dimension_semantics<core_parallel>, #tpu.dimension_semantics<subcore_parallel>], iteration_bounds = array<i64: 2, 16>, scalar_prefetch = 0 : i64, scratch_operands = 6 : i64, tpu.core_type = #tpu.core_type<sc_vector_subcore>, window_params = [{transform_indices = #map}, {transform_indices = #map1}, {transform_indices = #map1}, {transform_indices = #map}, {transform_indices = #map}]} {
    %mul3A = arith.constant 2 : i32
    %mul3A_0 = arith.muli %arg1, %mul3A : i32
    %add3A = arith.addi %mul3A_0, %arg0 : i32
    %mul3A_1 = arith.constant 10000 : i32
    %mul3A_2 = arith.muli %add3A, %mul3A_1 : i32
    %scan3A = arith.constant 0 : i32
    %scan3A_3 = arith.constant 0 : i32
    %scan3A_4 = arith.constant 50 : i32
    %scan3A_5 = arith.addi %scan3A_3, %scan3A_4 : i32
    %scan3A_6 = arith.constant 1 : i32
    scf.for %scan3A_8 = %scan3A_3 to %scan3A_5 step %scan3A_6  : i32 {
      %mul3A_9 = arith.constant 200 : i32
      %mul3A_10 = arith.muli %scan3A_8, %mul3A_9 : i32
      %add3A_11 = arith.addi %mul3A_2, %mul3A_10 : i32
      "tpu.region"() ({
        %run_scoped3A = tpu.sem_alloc : memref<!tpu.dma_semaphore, #tpu.memory_space<semaphore_mem>>
        %dma_start3A_28 = tpu.memref_slice %arg3[%add3A_11] : memref<320000xi32, #tpu.memory_space<hbm>> -> memref<200xi32, #tpu.memory_space<hbm>>
        %dma_start3A_29 = tpu.memref_slice %arg3[%add3A_11] : memref<320000xi32, #tpu.memory_space<hbm>> -> memref<200xi32, #tpu.memory_space<hbm>>
        tpu.enqueue_dma source(%dma_start3A_29 : memref<200xi32, #tpu.memory_space<hbm>>) target(%arg7 : memref<200xi32, #tpu.memory_space<vmem>>) target_semaphore(%run_scoped3A : memref<!tpu.dma_semaphore, #tpu.memory_space<semaphore_mem>>)
        %dma_wait3A_30 = tpu.memref_slice %arg3[%add3A_11] : memref<320000xi32, #tpu.memory_space<hbm>> -> memref<200xi32, #tpu.memory_space<hbm>>
        %dma_wait3A_31 = tpu.memref_slice %arg3[%add3A_11] : memref<320000xi32, #tpu.memory_space<hbm>> -> memref<200xi32, #tpu.memory_space<hbm>>
        tpu.wait_dma2 semaphore(%run_scoped3A : memref<!tpu.dma_semaphore, #tpu.memory_space<semaphore_mem>>) src(%dma_wait3A_31 : memref<200xi32, #tpu.memory_space<hbm>>) dst(%arg7 : memref<200xi32, #tpu.memory_space<vmem>>)
        tpu.yield
      }) : () -> ()
      "tpu.region"() ({
        %run_scoped3A = tpu.sem_alloc : memref<!tpu.dma_semaphore, #tpu.memory_space<semaphore_mem>>
        %dma_start3A_28 = tpu.memref_slice %arg4[%add3A_11] : memref<320000xi32, #tpu.memory_space<hbm>> -> memref<200xi32, #tpu.memory_space<hbm>>
        %dma_start3A_29 = tpu.memref_slice %arg4[%add3A_11] : memref<320000xi32, #tpu.memory_space<hbm>> -> memref<200xi32, #tpu.memory_space<hbm>>
        tpu.enqueue_dma source(%dma_start3A_29 : memref<200xi32, #tpu.memory_space<hbm>>) target(%arg8 : memref<200xi32, #tpu.memory_space<vmem>>) target_semaphore(%run_scoped3A : memref<!tpu.dma_semaphore, #tpu.memory_space<semaphore_mem>>)
        %dma_wait3A_30 = tpu.memref_slice %arg4[%add3A_11] : memref<320000xi32, #tpu.memory_space<hbm>> -> memref<200xi32, #tpu.memory_space<hbm>>
        %dma_wait3A_31 = tpu.memref_slice %arg4[%add3A_11] : memref<320000xi32, #tpu.memory_space<hbm>> -> memref<200xi32, #tpu.memory_space<hbm>>
        tpu.wait_dma2 semaphore(%run_scoped3A : memref<!tpu.dma_semaphore, #tpu.memory_space<semaphore_mem>>) src(%dma_wait3A_31 : memref<200xi32, #tpu.memory_space<hbm>>) dst(%arg8 : memref<200xi32, #tpu.memory_space<vmem>>)
        tpu.yield
      }) : () -> ()
      %dma_start3A = arith.constant 0 : i32
      %dma_start3A_12 = arith.constant 0 : i32
      %dma_start3A_13 = tpu.memref_slice %arg2[%dma_start3A, %dma_start3A_12] : memref<10000x128xf32, #tpu.memory_space<hbm>> -> memref<10000x128xf32, #tpu.memory_space<hbm>>
      tpu.enqueue_indirect_dma source(%dma_start3A_13 : memref<10000x128xf32, #tpu.memory_space<hbm>>) target(%arg9 : memref<200x128xf32, #tpu.memory_space<vmem>>) offsets(%arg7 : memref<200xi32, #tpu.memory_space<vmem>>) semaphore(%arg12 : memref<!tpu.dma_semaphore, #tpu.memory_space<semaphore_mem>>)
      %dma_wait3A = arith.constant 0 : i32
      %dma_wait3A_14 = arith.constant 0 : i32
      %dma_wait3A_15 = tpu.memref_slice %arg2[%dma_wait3A, %dma_wait3A_14] : memref<10000x128xf32, #tpu.memory_space<hbm>> -> memref<10000x128xf32, #tpu.memory_space<hbm>>
      tpu.wait_indirect_dma semaphore(%arg12 : memref<!tpu.dma_semaphore, #tpu.memory_space<semaphore_mem>>) src(%dma_wait3A_15 : memref<10000x128xf32, #tpu.memory_space<hbm>>) dst(%arg9 : memref<200x128xf32, #tpu.memory_space<vmem>>)
      %dma_start3A_16 = arith.constant 0 : i32
      %dma_start3A_17 = arith.constant 0 : i32
      %dma_start3A_18 = tpu.memref_slice %arg2[%dma_start3A_16, %dma_start3A_17] : memref<10000x128xf32, #tpu.memory_space<hbm>> -> memref<10000x128xf32, #tpu.memory_space<hbm>>
      tpu.enqueue_indirect_dma source(%dma_start3A_18 : memref<10000x128xf32, #tpu.memory_space<hbm>>) target(%arg10 : memref<200x128xf32, #tpu.memory_space<vmem>>) offsets(%arg8 : memref<200xi32, #tpu.memory_space<vmem>>) semaphore(%arg12 : memref<!tpu.dma_semaphore, #tpu.memory_space<semaphore_mem>>)
      %dma_wait3A_19 = arith.constant 0 : i32
      %dma_wait3A_20 = arith.constant 0 : i32
      %dma_wait3A_21 = tpu.memref_slice %arg2[%dma_wait3A_19, %dma_wait3A_20] : memref<10000x128xf32, #tpu.memory_space<hbm>> -> memref<10000x128xf32, #tpu.memory_space<hbm>>
      tpu.wait_indirect_dma semaphore(%arg12 : memref<!tpu.dma_semaphore, #tpu.memory_space<semaphore_mem>>) src(%dma_wait3A_21 : memref<10000x128xf32, #tpu.memory_space<hbm>>) dst(%arg10 : memref<200x128xf32, #tpu.memory_space<vmem>>)
      %scan3A_22 = arith.constant 0 : i32
      %scan3A_23 = arith.constant 0 : i32
      %scan3A_24 = arith.constant 200 : i32
      %scan3A_25 = arith.addi %scan3A_23, %scan3A_24 : i32
      %scan3A_26 = arith.constant 1 : i32
      scf.for %scan3A_28 = %scan3A_23 to %scan3A_25 step %scan3A_26  : i32 {
        %get3A = arith.index_cast %scan3A_28 : i32 to index
        %get3A_29 = arith.constant 0 : index
        %get3A_30 = tpu.vector_load %arg9[%get3A, %get3A_29] {strides = array<i32>} : memref<200x128xf32, #tpu.memory_space<vmem>>, vector<1x16xf32>,
        %get3A_31 = vector.shape_cast %get3A_30 : vector<1x16xf32> to vector<16xf32>
        %get3A_32 = arith.index_cast %scan3A_28 : i32 to index
        %get3A_33 = arith.constant 0 : index
        %get3A_34 = tpu.vector_load %arg10[%get3A_32, %get3A_33] {strides = array<i32>} : memref<200x128xf32, #tpu.memory_space<vmem>>, vector<1x16xf32>,
        %get3A_35 = vector.shape_cast %get3A_34 : vector<1x16xf32> to vector<16xf32>
        %sub3A = arith.subf %get3A_31, %get3A_35 : vector<16xf32>
        %gt3A = arith.constant 5.000000e-01 : f32
        %gt3A_36 = vector.broadcast %gt3A : f32 to vector<16xf32>
        %gt3A_37 = arith.cmpf ogt, %sub3A, %gt3A_36 : vector<16xf32>
        %sub3A_38 = arith.constant 1.000000e+00 : f32
        %sub3A_39 = vector.broadcast %sub3A_38 : f32 to vector<16xf32>
        %sub3A_40 = arith.subf %sub3A, %sub3A_39 : vector<16xf32>
        %select_n3A = arith.select %gt3A_37, %sub3A_40, %sub3A : vector<16xi1>, vector<16xf32>
        %neg3A = arith.constant 0.000000e+00 : f32
        %neg3A_41 = vector.broadcast %neg3A : f32 to vector<16xf32>
        %neg3A_42 = arith.subf %neg3A_41, %select_n3A : vector<16xf32>
        %gt3A_43 = arith.constant 5.000000e-01 : f32
        %gt3A_44 = vector.broadcast %gt3A_43 : f32 to vector<16xf32>
        %gt3A_45 = arith.cmpf ogt, %neg3A_42, %gt3A_44 : vector<16xf32>
        %add3A_46 = arith.constant 1.000000e+00 : f32
        %add3A_47 = vector.broadcast %add3A_46 : f32 to vector<16xf32>
        %add3A_48 = arith.addf %select_n3A, %add3A_47 : vector<16xf32>
        %select_n3A_49 = arith.select %gt3A_45, %add3A_48, %select_n3A : vector<16xi1>, vector<16xf32>
        %swap3A = arith.index_cast %scan3A_28 : i32 to index
        %swap3A_50 = arith.constant 0 : index
        %swap3A_51 = tpu.vector_load %arg11[%swap3A, %swap3A_50] {strides = array<i32>} : memref<200x16xf32, #tpu.memory_space<vmem>>, vector<1x16xf32>,
        %swap3A_52 = vector.shape_cast %swap3A_51 : vector<1x16xf32> to vector<16xf32>
        %swap3A_53 = vector.shape_cast %select_n3A_49 : vector<16xf32> to vector<1x16xf32>
        tpu.vector_store %arg11[%swap3A, %swap3A_50], %swap3A_53 {strides = array<i32>} : memref<200x16xf32, #tpu.memory_space<vmem>>, vector<1x16xf32>,
      }
      %scan3A_27 = arith.constant 200 : i32
      "tpu.region"() ({
        %run_scoped3A = tpu.sem_alloc : memref<!tpu.dma_semaphore, #tpu.memory_space<semaphore_mem>>
        %dma_start3A_28 = arith.constant 0 : i32
        %dma_start3A_29 = tpu.memref_slice %arg5[%add3A_11, %dma_start3A_28] : memref<320000x128xf32, #tpu.memory_space<hbm>> -> memref<200x128xf32, #tpu.memory_space<hbm>>
        %dma_start3A_30 = arith.constant 0 : i32
        %dma_start3A_31 = tpu.memref_slice %arg5[%add3A_11, %dma_start3A_30] : memref<320000x128xf32, #tpu.memory_space<hbm>> -> memref<200x128xf32, #tpu.memory_space<hbm>>
        tpu.enqueue_dma source(%arg9 : memref<200x128xf32, #tpu.memory_space<vmem>>) target(%dma_start3A_31 : memref<200x128xf32, #tpu.memory_space<hbm>>) target_semaphore(%run_scoped3A : memref<!tpu.dma_semaphore, #tpu.memory_space<semaphore_mem>>)
        %dma_wait3A_32 = arith.constant 0 : i32
        %dma_wait3A_33 = tpu.memref_slice %arg5[%add3A_11, %dma_wait3A_32] : memref<320000x128xf32, #tpu.memory_space<hbm>> -> memref<200x128xf32, #tpu.memory_space<hbm>>
        %dma_wait3A_34 = arith.constant 0 : i32
        %dma_wait3A_35 = tpu.memref_slice %arg5[%add3A_11, %dma_wait3A_34] : memref<320000x128xf32, #tpu.memory_space<hbm>> -> memref<200x128xf32, #tpu.memory_space<hbm>>
        tpu.wait_dma2 semaphore(%run_scoped3A : memref<!tpu.dma_semaphore, #tpu.memory_space<semaphore_mem>>) src(%arg9 : memref<200x128xf32, #tpu.memory_space<vmem>>) dst(%dma_wait3A_35 : memref<200x128xf32, #tpu.memory_space<hbm>>)
        tpu.yield
      }) : () -> ()
      "tpu.region"() ({
        %run_scoped3A = tpu.sem_alloc : memref<!tpu.dma_semaphore, #tpu.memory_space<semaphore_mem>>
        %dma_start3A_28 = arith.constant 0 : i32
        %dma_start3A_29 = tpu.memref_slice %arg6[%add3A_11, %dma_start3A_28] : memref<320000x16xf32, #tpu.memory_space<hbm>> -> memref<200x16xf32, #tpu.memory_space<hbm>>
        %dma_start3A_30 = arith.constant 0 : i32
        %dma_start3A_31 = tpu.memref_slice %arg6[%add3A_11, %dma_start3A_30] : memref<320000x16xf32, #tpu.memory_space<hbm>> -> memref<200x16xf32, #tpu.memory_space<hbm>>
        tpu.enqueue_dma source(%arg11 : memref<200x16xf32, #tpu.memory_space<vmem>>) target(%dma_start3A_31 : memref<200x16xf32, #tpu.memory_space<hbm>>) target_semaphore(%run_scoped3A : memref<!tpu.dma_semaphore, #tpu.memory_space<semaphore_mem>>)
        %dma_wait3A_32 = arith.constant 0 : i32
        %dma_wait3A_33 = tpu.memref_slice %arg6[%add3A_11, %dma_wait3A_32] : memref<320000x16xf32, #tpu.memory_space<hbm>> -> memref<200x16xf32, #tpu.memory_space<hbm>>
        %dma_wait3A_34 = arith.constant 0 : i32
        %dma_wait3A_35 = tpu.memref_slice %arg6[%add3A_11, %dma_wait3A_34] : memref<320000x16xf32, #tpu.memory_space<hbm>> -> memref<200x16xf32, #tpu.memory_space<hbm>>
        tpu.wait_dma2 semaphore(%run_scoped3A : memref<!tpu.dma_semaphore, #tpu.memory_space<semaphore_mem>>) src(%arg11 : memref<200x16xf32, #tpu.memory_space<vmem>>) dst(%dma_wait3A_35 : memref<200x16xf32, #tpu.memory_space<hbm>>)
        tpu.yield
      }) : () -> ()
    }
    %scan3A_7 = arith.constant 50 : i32
    return
  }
}

module attributes {stable_mosaic.version = 14 : i64} {
  func.func @_edge_mlp_kernel(%arg0: i32, %arg1: memref<1280x128xf32, #tpu.memory_space<vmem>>, %arg2: memref<1280x16xf32, #tpu.memory_space<vmem>>, %arg3: memref<128x256xf32, #tpu.memory_space<vmem>>, %arg4: memref<16x256xf32, #tpu.memory_space<vmem>>, %arg5: memref<1x256xf32, #tpu.memory_space<vmem>>, %arg6: memref<256x256xf32, #tpu.memory_space<vmem>>, %arg7: memref<1x256xf32, #tpu.memory_space<vmem>>, %arg8: memref<256x128xf32, #tpu.memory_space<vmem>>, %arg9: memref<1x128xf32, #tpu.memory_space<vmem>>, %arg10: memref<1280x128xf32, #tpu.memory_space<vmem>>) attributes {dimension_semantics = [#tpu.dimension_semantics<arbitrary>], iteration_bounds = array<i64: 250>, scalar_prefetch = 0 : i64, scratch_operands = 0 : i64, tpu.core_type = #tpu.core_type<tc>, window_params = [{transform_indices = @transform_0, window_bounds = array<i64: 1280, 128>}, {transform_indices = @transform_1, window_bounds = array<i64: 1280, 16>}, {pipeline_mode = #tpu.pipeline_mode<synchronous>, transform_indices = @transform_2, window_bounds = array<i64: 128, 256>}, {pipeline_mode = #tpu.pipeline_mode<synchronous>, transform_indices = @transform_3, window_bounds = array<i64: 16, 256>}, {pipeline_mode = #tpu.pipeline_mode<synchronous>, transform_indices = @transform_4, window_bounds = array<i64: 1, 256>}, {pipeline_mode = #tpu.pipeline_mode<synchronous>, transform_indices = @transform_5, window_bounds = array<i64: 256, 256>}, {pipeline_mode = #tpu.pipeline_mode<synchronous>, transform_indices = @transform_6, window_bounds = array<i64: 1, 256>}, {pipeline_mode = #tpu.pipeline_mode<synchronous>, transform_indices = @transform_7, window_bounds = array<i64: 256, 128>}, {pipeline_mode = #tpu.pipeline_mode<synchronous>, transform_indices = @transform_8, window_bounds = array<i64: 1, 128>}, {transform_indices = @transform_9, window_bounds = array<i64: 1280, 128>}]} {
    %get3A = arith.constant 0 : index
    %get3A_0 = arith.constant 0 : index
    %get3A_1 = vector.load %arg1[%get3A, %get3A_0] : memref<1280x128xf32, #tpu.memory_space<vmem>>, vector<1280x128xf32>
    %get3A_2 = arith.constant 0 : index
    %get3A_3 = arith.constant 0 : index
    %get3A_4 = vector.load %arg2[%get3A_2, %get3A_3] : memref<1280x16xf32, #tpu.memory_space<vmem>>, vector<1280x16xf32>
    %get3A_5 = arith.constant 0 : index
    %get3A_6 = arith.constant 0 : index
    %get3A_7 = vector.load %arg3[%get3A_5, %get3A_6] : memref<128x256xf32, #tpu.memory_space<vmem>>, vector<128x256xf32>
    %dot_general3A = arith.constant dense<0.000000e+00> : vector<1280x256xf32>
    %dot_general3A_8 = tpu.matmul %get3A_1, %get3A_7, %dot_general3A {dimension_numbers = #tpu.dot_dimension_numbers<[1], [0], [0], [1], [0, 0, 1, 1], [], []>, transpose_lhs_hint = false} : vector<1280x128xf32>, vector<128x256xf32>, vector<1280x256xf32> -> vector<1280x256xf32>
    %get3A_9 = arith.constant 0 : index
    %get3A_10 = arith.constant 0 : index
    %get3A_11 = vector.load %arg4[%get3A_9, %get3A_10] : memref<16x256xf32, #tpu.memory_space<vmem>>, vector<16x256xf32>
    %dot_general3A_12 = arith.constant dense<0.000000e+00> : vector<1280x256xf32>
    %dot_general3A_13 = tpu.matmul %get3A_4, %get3A_11, %dot_general3A_12 {dimension_numbers = #tpu.dot_dimension_numbers<[1], [0], [0], [1], [0, 0, 1, 1], [], []>, transpose_lhs_hint = false} : vector<1280x16xf32>, vector<16x256xf32>, vector<1280x256xf32> -> vector<1280x256xf32>
    %add3A = arith.addf %dot_general3A_8, %dot_general3A_13 : vector<1280x256xf32>
    %get3A_14 = arith.constant 0 : index
    %get3A_15 = arith.constant 0 : index
    %get3A_16 = vector.load %arg5[%get3A_14, %get3A_15] : memref<1x256xf32, #tpu.memory_space<vmem>>, vector<1x256xf32>
    %add3A_17 = vector.broadcast %get3A_16 : vector<1x256xf32> to vector<1280x256xf32>
    %add3A_18 = arith.addf %add3A, %add3A_17 : vector<1280x256xf32>
    %max3A = arith.constant 0.000000e+00 : f32
    %max3A_19 = vector.broadcast %max3A : f32 to vector<1280x256xf32>
    %max3A_20 = arith.maximumf %add3A_18, %max3A_19 : vector<1280x256xf32>
    %get3A_21 = arith.constant 0 : index
    %get3A_22 = arith.constant 0 : index
    %get3A_23 = vector.load %arg6[%get3A_21, %get3A_22] : memref<256x256xf32, #tpu.memory_space<vmem>>, vector<256x256xf32>
    %dot_general3A_24 = arith.constant dense<0.000000e+00> : vector<1280x256xf32>
    %dot_general3A_25 = tpu.matmul %max3A_20, %get3A_23, %dot_general3A_24 {dimension_numbers = #tpu.dot_dimension_numbers<[1], [0], [0], [1], [0, 0, 1, 1], [], []>, transpose_lhs_hint = false} : vector<1280x256xf32>, vector<256x256xf32>, vector<1280x256xf32> -> vector<1280x256xf32>
    %get3A_26 = arith.constant 0 : index
    %get3A_27 = arith.constant 0 : index
    %get3A_28 = vector.load %arg7[%get3A_26, %get3A_27] : memref<1x256xf32, #tpu.memory_space<vmem>>, vector<1x256xf32>
    %add3A_29 = vector.broadcast %get3A_28 : vector<1x256xf32> to vector<1280x256xf32>
    %add3A_30 = arith.addf %dot_general3A_25, %add3A_29 : vector<1280x256xf32>
    %max3A_31 = arith.constant 0.000000e+00 : f32
    %max3A_32 = vector.broadcast %max3A_31 : f32 to vector<1280x256xf32>
    %max3A_33 = arith.maximumf %add3A_30, %max3A_32 : vector<1280x256xf32>
    %get3A_34 = arith.constant 0 : index
    %get3A_35 = arith.constant 0 : index
    %get3A_36 = vector.load %arg8[%get3A_34, %get3A_35] : memref<256x128xf32, #tpu.memory_space<vmem>>, vector<256x128xf32>
    %dot_general3A_37 = arith.constant dense<0.000000e+00> : vector<1280x128xf32>
    %dot_general3A_38 = tpu.matmul %max3A_33, %get3A_36, %dot_general3A_37 {dimension_numbers = #tpu.dot_dimension_numbers<[1], [0], [0], [1], [0, 0, 1, 1], [], []>, transpose_lhs_hint = false} : vector<1280x256xf32>, vector<256x128xf32>, vector<1280x128xf32> -> vector<1280x128xf32>
    %get3A_39 = arith.constant 0 : index
    %get3A_40 = arith.constant 0 : index
    %get3A_41 = vector.load %arg9[%get3A_39, %get3A_40] : memref<1x128xf32, #tpu.memory_space<vmem>>, vector<1x128xf32>
    %add3A_42 = vector.broadcast %get3A_41 : vector<1x128xf32> to vector<1280x128xf32>
    %add3A_43 = arith.addf %dot_general3A_38, %add3A_42 : vector<1280x128xf32>
    %swap3A = arith.constant 0 : index
    %swap3A_44 = arith.constant 0 : index
    %swap3A_45 = vector.load %arg10[%swap3A, %swap3A_44] : memref<1280x128xf32, #tpu.memory_space<vmem>>, vector<1280x128xf32>
    tpu.vector_store %arg10[%swap3A, %swap3A_44], %add3A_43 {strides = array<i32>} : memref<1280x128xf32, #tpu.memory_space<vmem>>, vector<1280x128xf32>,
    return
  }
  func.func @transform_0(%arg0: i32) -> (i32, i32) {
    %c0_i32 = arith.constant 0 : i32
    %c0_i32_0 = arith.constant 0 : i32
    return %arg0, %c0_i32 : i32, i32
  }
  func.func @transform_1(%arg0: i32) -> (i32, i32) {
    %c0_i32 = arith.constant 0 : i32
    %c0_i32_0 = arith.constant 0 : i32
    return %arg0, %c0_i32 : i32, i32
  }
  func.func @transform_2(%arg0: i32) -> (i32, i32) {
    %c0_i32 = arith.constant 0 : i32
    %c0_i32_0 = arith.constant 0 : i32
    %c0_i32_1 = arith.constant 0 : i32
    return %c0_i32, %c0_i32_0 : i32, i32
  }
  func.func @transform_3(%arg0: i32) -> (i32, i32) {
    %c0_i32 = arith.constant 0 : i32
    %c0_i32_0 = arith.constant 0 : i32
    %c0_i32_1 = arith.constant 0 : i32
    return %c0_i32, %c0_i32_0 : i32, i32
  }
  func.func @transform_4(%arg0: i32) -> (i32, i32) {
    %c0_i32 = arith.constant 0 : i32
    %c0_i32_0 = arith.constant 0 : i32
    %c0_i32_1 = arith.constant 0 : i32
    return %c0_i32, %c0_i32_0 : i32, i32
  }
  func.func @transform_5(%arg0: i32) -> (i32, i32) {
    %c0_i32 = arith.constant 0 : i32
    %c0_i32_0 = arith.constant 0 : i32
    %c0_i32_1 = arith.constant 0 : i32
    return %c0_i32, %c0_i32_0 : i32, i32
  }
  func.func @transform_6(%arg0: i32) -> (i32, i32) {
    %c0_i32 = arith.constant 0 : i32
    %c0_i32_0 = arith.constant 0 : i32
    %c0_i32_1 = arith.constant 0 : i32
    return %c0_i32, %c0_i32_0 : i32, i32
  }
  func.func @transform_7(%arg0: i32) -> (i32, i32) {
    %c0_i32 = arith.constant 0 : i32
    %c0_i32_0 = arith.constant 0 : i32
    %c0_i32_1 = arith.constant 0 : i32
    return %c0_i32, %c0_i32_0 : i32, i32
  }
  func.func @transform_8(%arg0: i32) -> (i32, i32) {
    %c0_i32 = arith.constant 0 : i32
    %c0_i32_0 = arith.constant 0 : i32
    %c0_i32_1 = arith.constant 0 : i32
    return %c0_i32, %c0_i32_0 : i32, i32
  }
  func.func @transform_9(%arg0: i32) -> (i32, i32) {
    %c0_i32 = arith.constant 0 : i32
    %c0_i32_0 = arith.constant 0 : i32
    return %arg0, %c0_i32 : i32, i32
  }
}

module attributes {stable_mosaic.version = 14 : i64} {
  func.func @_segment_kernel(%arg0: i32, %arg1: memref<1x1280xi32, #tpu.memory_space<smem>>, %arg2: memref<1280x128xf32, #tpu.memory_space<vmem>>, %arg3: memref<10000x128xf32, #tpu.memory_space<vmem>>, %arg4: memref<10000x128xf32, #tpu.memory_space<vmem>>, %arg5: memref<10000x128xf32, #tpu.memory_space<vmem>>, %arg6: memref<10000x128xf32, #tpu.memory_space<vmem>>, %arg7: memref<10000x128xf32, #tpu.memory_space<vmem>>, %arg8: memref<10000x128xf32, #tpu.memory_space<vmem>>, %arg9: memref<10000x128xf32, #tpu.memory_space<vmem>>, %arg10: memref<10000x128xf32, #tpu.memory_space<vmem>>, %arg11: memref<1x10000xi32, #tpu.memory_space<smem>>, %arg12: memref<1x10000xi32, #tpu.memory_space<smem>>) attributes {dimension_semantics = [#tpu.dimension_semantics<arbitrary>], iteration_bounds = array<i64: 250>, scalar_prefetch = 0 : i64, scratch_operands = 0 : i64, tpu.core_type = #tpu.core_type<tc>, window_params = [{transform_indices = @transform_0, window_bounds = array<i64: 1, 1280>}, {transform_indices = @transform_1, window_bounds = array<i64: 1280, 128>}, {pipeline_mode = #tpu.pipeline_mode<synchronous>, transform_indices = @transform_2, window_bounds = array<i64: 10000, 128>}, {pipeline_mode = #tpu.pipeline_mode<synchronous>, transform_indices = @transform_3, window_bounds = array<i64: 10000, 128>}, {pipeline_mode = #tpu.pipeline_mode<synchronous>, transform_indices = @transform_4, window_bounds = array<i64: 10000, 128>}, {pipeline_mode = #tpu.pipeline_mode<synchronous>, transform_indices = @transform_5, window_bounds = array<i64: 10000, 128>}, {pipeline_mode = #tpu.pipeline_mode<synchronous>, transform_indices = @transform_6, window_bounds = array<i64: 10000, 128>}, {pipeline_mode = #tpu.pipeline_mode<synchronous>, transform_indices = @transform_7, window_bounds = array<i64: 10000, 128>}, {pipeline_mode = #tpu.pipeline_mode<synchronous>, transform_indices = @transform_8, window_bounds = array<i64: 10000, 128>}, {pipeline_mode = #tpu.pipeline_mode<synchronous>, transform_indices = @transform_9, window_bounds = array<i64: 10000, 128>}, {transform_indices = @transform_10, window_bounds = array<i64: 1, 10000>}, {transform_indices = @transform_11, window_bounds = array<i64: 1, 10000>}]} {
    %eq3A = arith.constant 0 : i32
    %eq3A_0 = arith.cmpi eq, %arg0, %eq3A : i32
    %convert_element_type3A = arith.extui %eq3A_0 : i1 to i32
    %cond3A = arith.constant 0 : i32
    %cond3A_1 = arith.cmpi ne, %convert_element_type3A, %cond3A : i32
    scf.if %cond3A_1 {
      %broadcast_in_dim3A = arith.constant 0.000000e+00 : f32
      %broadcast_in_dim3A_6 = vector.broadcast %broadcast_in_dim3A : f32 to vector<10000x128xf32>
      %swap3A = arith.constant 0 : index
      %swap3A_7 = arith.constant 0 : index
      %swap3A_8 = vector.load %arg3[%swap3A, %swap3A_7] : memref<10000x128xf32, #tpu.memory_space<vmem>>, vector<10000x128xf32>
      tpu.vector_store %arg3[%swap3A, %swap3A_7], %broadcast_in_dim3A_6 {strides = array<i32>} : memref<10000x128xf32, #tpu.memory_space<vmem>>, vector<10000x128xf32>,
      %broadcast_in_dim3A_9 = arith.constant 0.000000e+00 : f32
      %broadcast_in_dim3A_10 = vector.broadcast %broadcast_in_dim3A_9 : f32 to vector<10000x128xf32>
      %swap3A_11 = arith.constant 0 : index
      %swap3A_12 = arith.constant 0 : index
      %swap3A_13 = vector.load %arg4[%swap3A_11, %swap3A_12] : memref<10000x128xf32, #tpu.memory_space<vmem>>, vector<10000x128xf32>
      tpu.vector_store %arg4[%swap3A_11, %swap3A_12], %broadcast_in_dim3A_10 {strides = array<i32>} : memref<10000x128xf32, #tpu.memory_space<vmem>>, vector<10000x128xf32>,
      %broadcast_in_dim3A_14 = arith.constant 0.000000e+00 : f32
      %broadcast_in_dim3A_15 = vector.broadcast %broadcast_in_dim3A_14 : f32 to vector<10000x128xf32>
      %swap3A_16 = arith.constant 0 : index
      %swap3A_17 = arith.constant 0 : index
      %swap3A_18 = vector.load %arg5[%swap3A_16, %swap3A_17] : memref<10000x128xf32, #tpu.memory_space<vmem>>, vector<10000x128xf32>
      tpu.vector_store %arg5[%swap3A_16, %swap3A_17], %broadcast_in_dim3A_15 {strides = array<i32>} : memref<10000x128xf32, #tpu.memory_space<vmem>>, vector<10000x128xf32>,
      %broadcast_in_dim3A_19 = arith.constant 0.000000e+00 : f32
      %broadcast_in_dim3A_20 = vector.broadcast %broadcast_in_dim3A_19 : f32 to vector<10000x128xf32>
      %swap3A_21 = arith.constant 0 : index
      %swap3A_22 = arith.constant 0 : index
      %swap3A_23 = vector.load %arg6[%swap3A_21, %swap3A_22] : memref<10000x128xf32, #tpu.memory_space<vmem>>, vector<10000x128xf32>
      tpu.vector_store %arg6[%swap3A_21, %swap3A_22], %broadcast_in_dim3A_20 {strides = array<i32>} : memref<10000x128xf32, #tpu.memory_space<vmem>>, vector<10000x128xf32>,
      %broadcast_in_dim3A_24 = arith.constant -3.000000e+38 : f32
      %broadcast_in_dim3A_25 = vector.broadcast %broadcast_in_dim3A_24 : f32 to vector<10000x128xf32>
      %swap3A_26 = arith.constant 0 : index
      %swap3A_27 = arith.constant 0 : index
      %swap3A_28 = vector.load %arg7[%swap3A_26, %swap3A_27] : memref<10000x128xf32, #tpu.memory_space<vmem>>, vector<10000x128xf32>
      tpu.vector_store %arg7[%swap3A_26, %swap3A_27], %broadcast_in_dim3A_25 {strides = array<i32>} : memref<10000x128xf32, #tpu.memory_space<vmem>>, vector<10000x128xf32>,
      %broadcast_in_dim3A_29 = arith.constant -3.000000e+38 : f32
      %broadcast_in_dim3A_30 = vector.broadcast %broadcast_in_dim3A_29 : f32 to vector<10000x128xf32>
      %swap3A_31 = arith.constant 0 : index
      %swap3A_32 = arith.constant 0 : index
      %swap3A_33 = vector.load %arg8[%swap3A_31, %swap3A_32] : memref<10000x128xf32, #tpu.memory_space<vmem>>, vector<10000x128xf32>
      tpu.vector_store %arg8[%swap3A_31, %swap3A_32], %broadcast_in_dim3A_30 {strides = array<i32>} : memref<10000x128xf32, #tpu.memory_space<vmem>>, vector<10000x128xf32>,
      %broadcast_in_dim3A_34 = arith.constant -3.000000e+38 : f32
      %broadcast_in_dim3A_35 = vector.broadcast %broadcast_in_dim3A_34 : f32 to vector<10000x128xf32>
      %swap3A_36 = arith.constant 0 : index
      %swap3A_37 = arith.constant 0 : index
      %swap3A_38 = vector.load %arg9[%swap3A_36, %swap3A_37] : memref<10000x128xf32, #tpu.memory_space<vmem>>, vector<10000x128xf32>
      tpu.vector_store %arg9[%swap3A_36, %swap3A_37], %broadcast_in_dim3A_35 {strides = array<i32>} : memref<10000x128xf32, #tpu.memory_space<vmem>>, vector<10000x128xf32>,
      %broadcast_in_dim3A_39 = arith.constant -3.000000e+38 : f32
      %broadcast_in_dim3A_40 = vector.broadcast %broadcast_in_dim3A_39 : f32 to vector<10000x128xf32>
      %swap3A_41 = arith.constant 0 : index
      %swap3A_42 = arith.constant 0 : index
      %swap3A_43 = vector.load %arg10[%swap3A_41, %swap3A_42] : memref<10000x128xf32, #tpu.memory_space<vmem>>, vector<10000x128xf32>
      tpu.vector_store %arg10[%swap3A_41, %swap3A_42], %broadcast_in_dim3A_40 {strides = array<i32>} : memref<10000x128xf32, #tpu.memory_space<vmem>>, vector<10000x128xf32>,
      %scan3A_44 = arith.constant 0 : i32
      %scan3A_45 = arith.constant 10000 : i32
      %scan3A_46 = arith.addi %scan3A_44, %scan3A_45 : i32
      %scan3A_47 = arith.constant 1 : i32
      scf.for %scan3A_49 = %scan3A_44 to %scan3A_46 step %scan3A_47  : i32 {
        %swap3A_50 = arith.constant 0 : i32
        %swap3A_51 = arith.constant 0 : index
        %swap3A_52 = arith.index_cast %scan3A_49 : i32 to index
        %swap3A_53 = memref.load %arg11[%swap3A_51, %swap3A_52] : memref<1x10000xi32, #tpu.memory_space<smem>>
        memref.store %swap3A_50, %arg11[%swap3A_51, %swap3A_52] : memref<1x10000xi32, #tpu.memory_space<smem>>
        %swap3A_54 = arith.constant 0 : i32
        %swap3A_55 = arith.constant 0 : index
        %swap3A_56 = arith.index_cast %scan3A_49 : i32 to index
        %swap3A_57 = memref.load %arg12[%swap3A_55, %swap3A_56] : memref<1x10000xi32, #tpu.memory_space<smem>>
        memref.store %swap3A_54, %arg12[%swap3A_55, %swap3A_56] : memref<1x10000xi32, #tpu.memory_space<smem>>
      }
      %scan3A_48 = arith.constant 10000 : i32
    } else {
    }
    %scan3A = arith.constant 0 : i32
    %scan3A_2 = arith.constant 320 : i32
    %scan3A_3 = arith.addi %scan3A, %scan3A_2 : i32
    %scan3A_4 = arith.constant 1 : i32
    scf.for %scan3A_6 = %scan3A to %scan3A_3 step %scan3A_4  : i32 {
      %mul3A = arith.constant 4 : i32
      %mul3A_7 = arith.muli %scan3A_6, %mul3A : i32
      %add3A = arith.constant 0 : i32
      %add3A_8 = arith.addi %mul3A_7, %add3A : i32
      %get3A = arith.constant 0 : index
      %get3A_9 = arith.index_cast %add3A_8 : i32 to index
      %get3A_10 = memref.load %arg1[%get3A, %get3A_9] : memref<1x1280xi32, #tpu.memory_space<smem>>
      %get3A_11 = arith.index_cast %add3A_8 : i32 to index
      %get3A_12 = arith.constant 0 : index
      %get3A_13 = vector.load %arg2[%get3A_11, %get3A_12] : memref<1280x128xf32, #tpu.memory_space<vmem>>, vector<1x128xf32>
      %get3A_14 = arith.index_cast %get3A_10 : i32 to index
      %get3A_15 = arith.constant 0 : index
      %get3A_16 = vector.load %arg3[%get3A_14, %get3A_15] : memref<10000x128xf32, #tpu.memory_space<vmem>>, vector<1x128xf32>
      %add3A_17 = arith.addf %get3A_16, %get3A_13 : vector<1x128xf32>
      %swap3A = arith.index_cast %get3A_10 : i32 to index
      %swap3A_18 = arith.constant 0 : index
      %swap3A_19 = vector.load %arg3[%swap3A, %swap3A_18] : memref<10000x128xf32, #tpu.memory_space<vmem>>, vector<1x128xf32>
      tpu.vector_store %arg3[%swap3A, %swap3A_18], %add3A_17 {strides = array<i32>} : memref<10000x128xf32, #tpu.memory_space<vmem>>, vector<1x128xf32>,
      %get3A_20 = arith.index_cast %get3A_10 : i32 to index
      %get3A_21 = arith.constant 0 : index
      %get3A_22 = vector.load %arg7[%get3A_20, %get3A_21] : memref<10000x128xf32, #tpu.memory_space<vmem>>, vector<1x128xf32>
      %max3A = arith.maximumf %get3A_22, %get3A_13 : vector<1x128xf32>
      %swap3A_23 = arith.index_cast %get3A_10 : i32 to index
      %swap3A_24 = arith.constant 0 : index
      %swap3A_25 = vector.load %arg7[%swap3A_23, %swap3A_24] : memref<10000x128xf32, #tpu.memory_space<vmem>>, vector<1x128xf32>
      tpu.vector_store %arg7[%swap3A_23, %swap3A_24], %max3A {strides = array<i32>} : memref<10000x128xf32, #tpu.memory_space<vmem>>, vector<1x128xf32>,
      %get3A_26 = arith.constant 0 : index
      %get3A_27 = arith.index_cast %get3A_10 : i32 to index
      %get3A_28 = memref.load %arg11[%get3A_26, %get3A_27] : memref<1x10000xi32, #tpu.memory_space<smem>>
      %add3A_29 = arith.constant 1 : i32
      %add3A_30 = arith.addi %get3A_28, %add3A_29 : i32
      %swap3A_31 = arith.constant 0 : index
      %swap3A_32 = arith.index_cast %get3A_10 : i32 to index
      %swap3A_33 = memref.load %arg11[%swap3A_31, %swap3A_32] : memref<1x10000xi32, #tpu.memory_space<smem>>
      memref.store %add3A_30, %arg11[%swap3A_31, %swap3A_32] : memref<1x10000xi32, #tpu.memory_space<smem>>
      %mul3A_34 = arith.constant 4 : i32
      %mul3A_35 = arith.muli %scan3A_6, %mul3A_34 : i32
      %add3A_36 = arith.constant 1 : i32
      %add3A_37 = arith.addi %mul3A_35, %add3A_36 : i32
      %get3A_38 = arith.constant 0 : index
      %get3A_39 = arith.index_cast %add3A_37 : i32 to index
      %get3A_40 = memref.load %arg1[%get3A_38, %get3A_39] : memref<1x1280xi32, #tpu.memory_space<smem>>
      %get3A_41 = arith.index_cast %add3A_37 : i32 to index
      %get3A_42 = arith.constant 0 : index
      %get3A_43 = vector.load %arg2[%get3A_41, %get3A_42] : memref<1280x128xf32, #tpu.memory_space<vmem>>, vector<1x128xf32>
      %get3A_44 = arith.index_cast %get3A_40 : i32 to index
      %get3A_45 = arith.constant 0 : index
      %get3A_46 = vector.load %arg4[%get3A_44, %get3A_45] : memref<10000x128xf32, #tpu.memory_space<vmem>>, vector<1x128xf32>
      %add3A_47 = arith.addf %get3A_46, %get3A_43 : vector<1x128xf32>
      %swap3A_48 = arith.index_cast %get3A_40 : i32 to index
      %swap3A_49 = arith.constant 0 : index
      %swap3A_50 = vector.load %arg4[%swap3A_48, %swap3A_49] : memref<10000x128xf32, #tpu.memory_space<vmem>>, vector<1x128xf32>
      tpu.vector_store %arg4[%swap3A_48, %swap3A_49], %add3A_47 {strides = array<i32>} : memref<10000x128xf32, #tpu.memory_space<vmem>>, vector<1x128xf32>,
      %get3A_51 = arith.index_cast %get3A_40 : i32 to index
      %get3A_52 = arith.constant 0 : index
      %get3A_53 = vector.load %arg8[%get3A_51, %get3A_52] : memref<10000x128xf32, #tpu.memory_space<vmem>>, vector<1x128xf32>
      %max3A_54 = arith.maximumf %get3A_53, %get3A_43 : vector<1x128xf32>
      %swap3A_55 = arith.index_cast %get3A_40 : i32 to index
      %swap3A_56 = arith.constant 0 : index
      %swap3A_57 = vector.load %arg8[%swap3A_55, %swap3A_56] : memref<10000x128xf32, #tpu.memory_space<vmem>>, vector<1x128xf32>
      tpu.vector_store %arg8[%swap3A_55, %swap3A_56], %max3A_54 {strides = array<i32>} : memref<10000x128xf32, #tpu.memory_space<vmem>>, vector<1x128xf32>,
      %get3A_58 = arith.constant 0 : index
      %get3A_59 = arith.index_cast %get3A_40 : i32 to index
      %get3A_60 = memref.load %arg12[%get3A_58, %get3A_59] : memref<1x10000xi32, #tpu.memory_space<smem>>
      %add3A_61 = arith.constant 1 : i32
      %add3A_62 = arith.addi %get3A_60, %add3A_61 : i32
      %swap3A_63 = arith.constant 0 : index
      %swap3A_64 = arith.index_cast %get3A_40 : i32 to index
      %swap3A_65 = memref.load %arg12[%swap3A_63, %swap3A_64] : memref<1x10000xi32, #tpu.memory_space<smem>>
      memref.store %add3A_62, %arg12[%swap3A_63, %swap3A_64] : memref<1x10000xi32, #tpu.memory_space<smem>>
      %mul3A_66 = arith.constant 4 : i32
      %mul3A_67 = arith.muli %scan3A_6, %mul3A_66 : i32
      %add3A_68 = arith.constant 2 : i32
      %add3A_69 = arith.addi %mul3A_67, %add3A_68 : i32
      %get3A_70 = arith.constant 0 : index
      %get3A_71 = arith.index_cast %add3A_69 : i32 to index
      %get3A_72 = memref.load %arg1[%get3A_70, %get3A_71] : memref<1x1280xi32, #tpu.memory_space<smem>>
      %get3A_73 = arith.index_cast %add3A_69 : i32 to index
      %get3A_74 = arith.constant 0 : index
      %get3A_75 = vector.load %arg2[%get3A_73, %get3A_74] : memref<1280x128xf32, #tpu.memory_space<vmem>>, vector<1x128xf32>
      %get3A_76 = arith.index_cast %get3A_72 : i32 to index
      %get3A_77 = arith.constant 0 : index
      %get3A_78 = vector.load %arg5[%get3A_76, %get3A_77] : memref<10000x128xf32, #tpu.memory_space<vmem>>, vector<1x128xf32>
      %add3A_79 = arith.addf %get3A_78, %get3A_75 : vector<1x128xf32>
      %swap3A_80 = arith.index_cast %get3A_72 : i32 to index
      %swap3A_81 = arith.constant 0 : index
      %swap3A_82 = vector.load %arg5[%swap3A_80, %swap3A_81] : memref<10000x128xf32, #tpu.memory_space<vmem>>, vector<1x128xf32>
      tpu.vector_store %arg5[%swap3A_80, %swap3A_81], %add3A_79 {strides = array<i32>} : memref<10000x128xf32, #tpu.memory_space<vmem>>, vector<1x128xf32>,
      %get3A_83 = arith.index_cast %get3A_72 : i32 to index
      %get3A_84 = arith.constant 0 : index
      %get3A_85 = vector.load %arg9[%get3A_83, %get3A_84] : memref<10000x128xf32, #tpu.memory_space<vmem>>, vector<1x128xf32>
      %max3A_86 = arith.maximumf %get3A_85, %get3A_75 : vector<1x128xf32>
      %swap3A_87 = arith.index_cast %get3A_72 : i32 to index
      %swap3A_88 = arith.constant 0 : index
      %swap3A_89 = vector.load %arg9[%swap3A_87, %swap3A_88] : memref<10000x128xf32, #tpu.memory_space<vmem>>, vector<1x128xf32>
      tpu.vector_store %arg9[%swap3A_87, %swap3A_88], %max3A_86 {strides = array<i32>} : memref<10000x128xf32, #tpu.memory_space<vmem>>, vector<1x128xf32>,
      %get3A_90 = arith.constant 0 : index
      %get3A_91 = arith.index_cast %get3A_72 : i32 to index
      %get3A_92 = memref.load %arg11[%get3A_90, %get3A_91] : memref<1x10000xi32, #tpu.memory_space<smem>>
      %add3A_93 = arith.constant 1 : i32
      %add3A_94 = arith.addi %get3A_92, %add3A_93 : i32
      %swap3A_95 = arith.constant 0 : index
      %swap3A_96 = arith.index_cast %get3A_72 : i32 to index
      %swap3A_97 = memref.load %arg11[%swap3A_95, %swap3A_96] : memref<1x10000xi32, #tpu.memory_space<smem>>
      memref.store %add3A_94, %arg11[%swap3A_95, %swap3A_96] : memref<1x10000xi32, #tpu.memory_space<smem>>
      %mul3A_98 = arith.constant 4 : i32
      %mul3A_99 = arith.muli %scan3A_6, %mul3A_98 : i32
      %add3A_100 = arith.constant 3 : i32
      %add3A_101 = arith.addi %mul3A_99, %add3A_100 : i32
      %get3A_102 = arith.constant 0 : index
      %get3A_103 = arith.index_cast %add3A_101 : i32 to index
      %get3A_104 = memref.load %arg1[%get3A_102, %get3A_103] : memref<1x1280xi32, #tpu.memory_space<smem>>
      %get3A_105 = arith.index_cast %add3A_101 : i32 to index
      %get3A_106 = arith.constant 0 : index
      %get3A_107 = vector.load %arg2[%get3A_105, %get3A_106] : memref<1280x128xf32, #tpu.memory_space<vmem>>, vector<1x128xf32>
      %get3A_108 = arith.index_cast %get3A_104 : i32 to index
      %get3A_109 = arith.constant 0 : index
      %get3A_110 = vector.load %arg6[%get3A_108, %get3A_109] : memref<10000x128xf32, #tpu.memory_space<vmem>>, vector<1x128xf32>
      %add3A_111 = arith.addf %get3A_110, %get3A_107 : vector<1x128xf32>
      %swap3A_112 = arith.index_cast %get3A_104 : i32 to index
      %swap3A_113 = arith.constant 0 : index
      %swap3A_114 = vector.load %arg6[%swap3A_112, %swap3A_113] : memref<10000x128xf32, #tpu.memory_space<vmem>>, vector<1x128xf32>
      tpu.vector_store %arg6[%swap3A_112, %swap3A_113], %add3A_111 {strides = array<i32>} : memref<10000x128xf32, #tpu.memory_space<vmem>>, vector<1x128xf32>,
      %get3A_115 = arith.index_cast %get3A_104 : i32 to index
      %get3A_116 = arith.constant 0 : index
      %get3A_117 = vector.load %arg10[%get3A_115, %get3A_116] : memref<10000x128xf32, #tpu.memory_space<vmem>>, vector<1x128xf32>
      %max3A_118 = arith.maximumf %get3A_117, %get3A_107 : vector<1x128xf32>
      %swap3A_119 = arith.index_cast %get3A_104 : i32 to index
      %swap3A_120 = arith.constant 0 : index
      %swap3A_121 = vector.load %arg10[%swap3A_119, %swap3A_120] : memref<10000x128xf32, #tpu.memory_space<vmem>>, vector<1x128xf32>
      tpu.vector_store %arg10[%swap3A_119, %swap3A_120], %max3A_118 {strides = array<i32>} : memref<10000x128xf32, #tpu.memory_space<vmem>>, vector<1x128xf32>,
      %get3A_122 = arith.constant 0 : index
      %get3A_123 = arith.index_cast %get3A_104 : i32 to index
      %get3A_124 = memref.load %arg12[%get3A_122, %get3A_123] : memref<1x10000xi32, #tpu.memory_space<smem>>
      %add3A_125 = arith.constant 1 : i32
      %add3A_126 = arith.addi %get3A_124, %add3A_125 : i32
      %swap3A_127 = arith.constant 0 : index
      %swap3A_128 = arith.index_cast %get3A_104 : i32 to index
      %swap3A_129 = memref.load %arg12[%swap3A_127, %swap3A_128] : memref<1x10000xi32, #tpu.memory_space<smem>>
      memref.store %add3A_126, %arg12[%swap3A_127, %swap3A_128] : memref<1x10000xi32, #tpu.memory_space<smem>>
    }
    %scan3A_5 = arith.constant 320 : i32
    return
  }
  func.func @transform_0(%arg0: i32) -> (i32, i32) {
    %c0_i32 = arith.constant 0 : i32
    %c0_i32_0 = arith.constant 0 : i32
    return %c0_i32, %arg0 : i32, i32
  }
  func.func @transform_1(%arg0: i32) -> (i32, i32) {
    %c0_i32 = arith.constant 0 : i32
    %c0_i32_0 = arith.constant 0 : i32
    return %arg0, %c0_i32 : i32, i32
  }
  func.func @transform_2(%arg0: i32) -> (i32, i32) {
    %c0_i32 = arith.constant 0 : i32
    %c0_i32_0 = arith.constant 0 : i32
    %c0_i32_1 = arith.constant 0 : i32
    return %c0_i32, %c0_i32_0 : i32, i32
  }
  func.func @transform_3(%arg0: i32) -> (i32, i32) {
    %c0_i32 = arith.constant 0 : i32
    %c0_i32_0 = arith.constant 0 : i32
    %c0_i32_1 = arith.constant 0 : i32
    return %c0_i32, %c0_i32_0 : i32, i32
  }
  func.func @transform_4(%arg0: i32) -> (i32, i32) {
    %c0_i32 = arith.constant 0 : i32
    %c0_i32_0 = arith.constant 0 : i32
    %c0_i32_1 = arith.constant 0 : i32
    return %c0_i32, %c0_i32_0 : i32, i32
  }
  func.func @transform_5(%arg0: i32) -> (i32, i32) {
    %c0_i32 = arith.constant 0 : i32
    %c0_i32_0 = arith.constant 0 : i32
    %c0_i32_1 = arith.constant 0 : i32
    return %c0_i32, %c0_i32_0 : i32, i32
  }
  func.func @transform_6(%arg0: i32) -> (i32, i32) {
    %c0_i32 = arith.constant 0 : i32
    %c0_i32_0 = arith.constant 0 : i32
    %c0_i32_1 = arith.constant 0 : i32
    return %c0_i32, %c0_i32_0 : i32, i32
  }
  func.func @transform_7(%arg0: i32) -> (i32, i32) {
    %c0_i32 = arith.constant 0 : i32
    %c0_i32_0 = arith.constant 0 : i32
    %c0_i32_1 = arith.constant 0 : i32
    return %c0_i32, %c0_i32_0 : i32, i32
  }
  func.func @transform_8(%arg0: i32) -> (i32, i32) {
    %c0_i32 = arith.constant 0 : i32
    %c0_i32_0 = arith.constant 0 : i32
    %c0_i32_1 = arith.constant 0 : i32
    return %c0_i32, %c0_i32_0 : i32, i32
  }
  func.func @transform_9(%arg0: i32) -> (i32, i32) {
    %c0_i32 = arith.constant 0 : i32
    %c0_i32_0 = arith.constant 0 : i32
    %c0_i32_1 = arith.constant 0 : i32
    return %c0_i32, %c0_i32_0 : i32, i32
  }
  func.func @transform_10(%arg0: i32) -> (i32, i32) {
    %c0_i32 = arith.constant 0 : i32
    %c0_i32_0 = arith.constant 0 : i32
    %c0_i32_1 = arith.constant 0 : i32
    return %c0_i32, %c0_i32_0 : i32, i32
  }
  func.func @transform_11(%arg0: i32) -> (i32, i32) {
    %c0_i32 = arith.constant 0 : i32
    %c0_i32_0 = arith.constant 0 : i32
    %c0_i32_1 = arith.constant 0 : i32
    return %c0_i32, %c0_i32_0 : i32, i32
  }
}

module attributes {stable_mosaic.version = 14 : i64} {
  func.func @_node_mlp_kernel(%arg0: i32, %arg1: memref<1000x128xf32, #tpu.memory_space<vmem>>, %arg2: memref<1000x128xf32, #tpu.memory_space<vmem>>, %arg3: memref<1000x128xf32, #tpu.memory_space<vmem>>, %arg4: memref<1000x128xf32, #tpu.memory_space<vmem>>, %arg5: memref<1000x128xf32, #tpu.memory_space<vmem>>, %arg6: memref<1000x128xf32, #tpu.memory_space<vmem>>, %arg7: memref<1000x128xf32, #tpu.memory_space<vmem>>, %arg8: memref<1000x128xf32, #tpu.memory_space<vmem>>, %arg9: memref<1000x128xf32, #tpu.memory_space<vmem>>, %arg10: memref<1000x1xi32, #tpu.memory_space<vmem>>, %arg11: memref<1000x1xi32, #tpu.memory_space<vmem>>, %arg12: memref<128x256xf32, #tpu.memory_space<vmem>>, %arg13: memref<128x256xf32, #tpu.memory_space<vmem>>, %arg14: memref<128x256xf32, #tpu.memory_space<vmem>>, %arg15: memref<128x256xf32, #tpu.memory_space<vmem>>, %arg16: memref<1x256xf32, #tpu.memory_space<vmem>>, %arg17: memref<256x256xf32, #tpu.memory_space<vmem>>, %arg18: memref<1x256xf32, #tpu.memory_space<vmem>>, %arg19: memref<256x128xf32, #tpu.memory_space<vmem>>, %arg20: memref<1x128xf32, #tpu.memory_space<vmem>>, %arg21: memref<1000x128xf32, #tpu.memory_space<vmem>>) attributes {dimension_semantics = [#tpu.dimension_semantics<arbitrary>], iteration_bounds = array<i64: 10>, scalar_prefetch = 0 : i64, scratch_operands = 0 : i64, tpu.core_type = #tpu.core_type<tc>, window_params = [{transform_indices = @transform_0, window_bounds = array<i64: 1000, 128>}, {transform_indices = @transform_1, window_bounds = array<i64: 1000, 128>}, {transform_indices = @transform_2, window_bounds = array<i64: 1000, 128>}, {transform_indices = @transform_3, window_bounds = array<i64: 1000, 128>}, {transform_indices = @transform_4, window_bounds = array<i64: 1000, 128>}, {transform_indices = @transform_5, window_bounds = array<i64: 1000, 128>}, {transform_indices = @transform_6, window_bounds = array<i64: 1000, 128>}, {transform_indices = @transform_7, window_bounds = array<i64: 1000, 128>}, {transform_indices = @transform_8, window_bounds = array<i64: 1000, 128>}, {transform_indices = @transform_9, window_bounds = array<i64: 1000, 1>}, {transform_indices = @transform_10, window_bounds = array<i64: 1000, 1>}, {pipeline_mode = #tpu.pipeline_mode<synchronous>, transform_indices = @transform_11, window_bounds = array<i64: 128, 256>}, {pipeline_mode = #tpu.pipeline_mode<synchronous>, transform_indices = @transform_12, window_bounds = array<i64: 128, 256>}, {pipeline_mode = #tpu.pipeline_mode<synchronous>, transform_indices = @transform_13, window_bounds = array<i64: 128, 256>}, {pipeline_mode = #tpu.pipeline_mode<synchronous>, transform_indices = @transform_14, window_bounds = array<i64: 128, 256>}, {pipeline_mode = #tpu.pipeline_mode<synchronous>, transform_indices = @transform_15, window_bounds = array<i64: 1, 256>}, {pipeline_mode = #tpu.pipeline_mode<synchronous>, transform_indices = @transform_16, window_bounds = array<i64: 256, 256>}, {pipeline_mode = #tpu.pipeline_mode<synchronous>, transform_indices = @transform_17, window_bounds = array<i64: 1, 256>}, {pipeline_mode = #tpu.pipeline_mode<synchronous>, transform_indices = @transform_18, window_bounds = array<i64: 256, 128>}, {pipeline_mode = #tpu.pipeline_mode<synchronous>, transform_indices = @transform_19, window_bounds = array<i64: 1, 128>}, {transform_indices = @transform_20, window_bounds = array<i64: 1000, 128>}]} {
    %get3A = arith.constant 0 : index
    %get3A_0 = arith.constant 0 : index
    %get3A_1 = vector.load %arg10[%get3A, %get3A_0] : memref<1000x1xi32, #tpu.memory_space<vmem>>, vector<1000x1xi32>
    %get3A_2 = arith.constant 0 : index
    %get3A_3 = arith.constant 0 : index
    %get3A_4 = vector.load %arg11[%get3A_2, %get3A_3] : memref<1000x1xi32, #tpu.memory_space<vmem>>, vector<1000x1xi32>
    %add3A = arith.addi %get3A_1, %get3A_4 : vector<1000x1xi32>
    %convert_element_type3A = arith.sitofp %add3A : vector<1000x1xi32> to vector<1000x1xf32>
    %get3A_5 = arith.constant 0 : index
    %get3A_6 = arith.constant 0 : index
    %get3A_7 = vector.load %arg2[%get3A_5, %get3A_6] : memref<1000x128xf32, #tpu.memory_space<vmem>>, vector<1000x128xf32>
    %get3A_8 = arith.constant 0 : index
    %get3A_9 = arith.constant 0 : index
    %get3A_10 = vector.load %arg3[%get3A_8, %get3A_9] : memref<1000x128xf32, #tpu.memory_space<vmem>>, vector<1000x128xf32>
    %add3A_11 = arith.addf %get3A_7, %get3A_10 : vector<1000x128xf32>
    %get3A_12 = arith.constant 0 : index
    %get3A_13 = arith.constant 0 : index
    %get3A_14 = vector.load %arg4[%get3A_12, %get3A_13] : memref<1000x128xf32, #tpu.memory_space<vmem>>, vector<1000x128xf32>
    %get3A_15 = arith.constant 0 : index
    %get3A_16 = arith.constant 0 : index
    %get3A_17 = vector.load %arg5[%get3A_15, %get3A_16] : memref<1000x128xf32, #tpu.memory_space<vmem>>, vector<1000x128xf32>
    %add3A_18 = arith.addf %get3A_14, %get3A_17 : vector<1000x128xf32>
    %add3A_19 = arith.addf %add3A_11, %add3A_18 : vector<1000x128xf32>
    %get3A_20 = arith.constant 0 : index
    %get3A_21 = arith.constant 0 : index
    %get3A_22 = vector.load %arg6[%get3A_20, %get3A_21] : memref<1000x128xf32, #tpu.memory_space<vmem>>, vector<1000x128xf32>
    %get3A_23 = arith.constant 0 : index
    %get3A_24 = arith.constant 0 : index
    %get3A_25 = vector.load %arg7[%get3A_23, %get3A_24] : memref<1000x128xf32, #tpu.memory_space<vmem>>, vector<1000x128xf32>
    %max3A = arith.maximumf %get3A_22, %get3A_25 : vector<1000x128xf32>
    %get3A_26 = arith.constant 0 : index
    %get3A_27 = arith.constant 0 : index
    %get3A_28 = vector.load %arg8[%get3A_26, %get3A_27] : memref<1000x128xf32, #tpu.memory_space<vmem>>, vector<1000x128xf32>
    %get3A_29 = arith.constant 0 : index
    %get3A_30 = arith.constant 0 : index
    %get3A_31 = vector.load %arg9[%get3A_29, %get3A_30] : memref<1000x128xf32, #tpu.memory_space<vmem>>, vector<1000x128xf32>
    %max3A_32 = arith.maximumf %get3A_28, %get3A_31 : vector<1000x128xf32>
    %max3A_33 = arith.maximumf %max3A, %max3A_32 : vector<1000x128xf32>
    %max3A_34 = arith.constant 1.000000e+00 : f32
    %max3A_35 = vector.broadcast %max3A_34 : f32 to vector<1000x1xf32>
    %max3A_36 = arith.maximumf %convert_element_type3A, %max3A_35 : vector<1000x1xf32>
    %div3A = vector.broadcast %max3A_36 : vector<1000x1xf32> to vector<1000x128xf32>
    %div3A_37 = arith.divf %add3A_19, %div3A : vector<1000x128xf32>
    %gt3A = arith.constant 0.000000e+00 : f32
    %gt3A_38 = vector.broadcast %gt3A : f32 to vector<1000x1xf32>
    %gt3A_39 = arith.cmpf ogt, %convert_element_type3A, %gt3A_38 : vector<1000x1xf32>
    %jit3A = arith.constant 0.000000e+00 : f32
    %broadcast_in_dim3A = vector.shape_cast %gt3A_39 : vector<1000x1xi1> to vector<1000x1xi1>
    %broadcast_in_dim3A_40 = vector.broadcast %broadcast_in_dim3A : vector<1000x1xi1> to vector<1000x128xi1>
    %broadcast_in_dim3A_41 = vector.broadcast %jit3A : f32 to vector<1000x128xf32>
    %select_n3A = arith.select %broadcast_in_dim3A_40, %max3A_33, %broadcast_in_dim3A_41 : vector<1000x128xi1>, vector<1000x128xf32>
    %get3A_42 = arith.constant 0 : index
    %get3A_43 = arith.constant 0 : index
    %get3A_44 = vector.load %arg1[%get3A_42, %get3A_43] : memref<1000x128xf32, #tpu.memory_space<vmem>>, vector<1000x128xf32>
    %get3A_45 = arith.constant 0 : index
    %get3A_46 = arith.constant 0 : index
    %get3A_47 = vector.load %arg12[%get3A_45, %get3A_46] : memref<128x256xf32, #tpu.memory_space<vmem>>, vector<128x256xf32>
    %dot_general3A = arith.constant dense<0.000000e+00> : vector<1000x256xf32>
    %dot_general3A_48 = tpu.matmul %get3A_44, %get3A_47, %dot_general3A {dimension_numbers = #tpu.dot_dimension_numbers<[1], [0], [0], [1], [0, 0, 1, 1], [], []>, transpose_lhs_hint = false} : vector<1000x128xf32>, vector<128x256xf32>, vector<1000x256xf32> -> vector<1000x256xf32>
    %get3A_49 = arith.constant 0 : index
    %get3A_50 = arith.constant 0 : index
    %get3A_51 = vector.load %arg13[%get3A_49, %get3A_50] : memref<128x256xf32, #tpu.memory_space<vmem>>, vector<128x256xf32>
    %dot_general3A_52 = arith.constant dense<0.000000e+00> : vector<1000x256xf32>
    %dot_general3A_53 = tpu.matmul %div3A_37, %get3A_51, %dot_general3A_52 {dimension_numbers = #tpu.dot_dimension_numbers<[1], [0], [0], [1], [0, 0, 1, 1], [], []>, transpose_lhs_hint = false} : vector<1000x128xf32>, vector<128x256xf32>, vector<1000x256xf32> -> vector<1000x256xf32>
    %add3A_54 = arith.addf %dot_general3A_48, %dot_general3A_53 : vector<1000x256xf32>
    %get3A_55 = arith.constant 0 : index
    %get3A_56 = arith.constant 0 : index
    %get3A_57 = vector.load %arg14[%get3A_55, %get3A_56] : memref<128x256xf32, #tpu.memory_space<vmem>>, vector<128x256xf32>
    %dot_general3A_58 = arith.constant dense<0.000000e+00> : vector<1000x256xf32>
    %dot_general3A_59 = tpu.matmul %select_n3A, %get3A_57, %dot_general3A_58 {dimension_numbers = #tpu.dot_dimension_numbers<[1], [0], [0], [1], [0, 0, 1, 1], [], []>, transpose_lhs_hint = false} : vector<1000x128xf32>, vector<128x256xf32>, vector<1000x256xf32> -> vector<1000x256xf32>
    %add3A_60 = arith.addf %add3A_54, %dot_general3A_59 : vector<1000x256xf32>
    %get3A_61 = arith.constant 0 : index
    %get3A_62 = arith.constant 0 : index
    %get3A_63 = vector.load %arg15[%get3A_61, %get3A_62] : memref<128x256xf32, #tpu.memory_space<vmem>>, vector<128x256xf32>
    %dot_general3A_64 = arith.constant dense<0.000000e+00> : vector<1000x256xf32>
    %dot_general3A_65 = tpu.matmul %add3A_19, %get3A_63, %dot_general3A_64 {dimension_numbers = #tpu.dot_dimension_numbers<[1], [0], [0], [1], [0, 0, 1, 1], [], []>, transpose_lhs_hint = false} : vector<1000x128xf32>, vector<128x256xf32>, vector<1000x256xf32> -> vector<1000x256xf32>
    %add3A_66 = arith.addf %add3A_60, %dot_general3A_65 : vector<1000x256xf32>
    %get3A_67 = arith.constant 0 : index
    %get3A_68 = arith.constant 0 : index
    %get3A_69 = vector.load %arg16[%get3A_67, %get3A_68] : memref<1x256xf32, #tpu.memory_space<vmem>>, vector<1x256xf32>
    %add3A_70 = vector.broadcast %get3A_69 : vector<1x256xf32> to vector<1000x256xf32>
    %add3A_71 = arith.addf %add3A_66, %add3A_70 : vector<1000x256xf32>
    %max3A_72 = arith.constant 0.000000e+00 : f32
    %max3A_73 = vector.broadcast %max3A_72 : f32 to vector<1000x256xf32>
    %max3A_74 = arith.maximumf %add3A_71, %max3A_73 : vector<1000x256xf32>
    %get3A_75 = arith.constant 0 : index
    %get3A_76 = arith.constant 0 : index
    %get3A_77 = vector.load %arg17[%get3A_75, %get3A_76] : memref<256x256xf32, #tpu.memory_space<vmem>>, vector<256x256xf32>
    %dot_general3A_78 = arith.constant dense<0.000000e+00> : vector<1000x256xf32>
    %dot_general3A_79 = tpu.matmul %max3A_74, %get3A_77, %dot_general3A_78 {dimension_numbers = #tpu.dot_dimension_numbers<[1], [0], [0], [1], [0, 0, 1, 1], [], []>, transpose_lhs_hint = false} : vector<1000x256xf32>, vector<256x256xf32>, vector<1000x256xf32> -> vector<1000x256xf32>
    %get3A_80 = arith.constant 0 : index
    %get3A_81 = arith.constant 0 : index
    %get3A_82 = vector.load %arg18[%get3A_80, %get3A_81] : memref<1x256xf32, #tpu.memory_space<vmem>>, vector<1x256xf32>
    %add3A_83 = vector.broadcast %get3A_82 : vector<1x256xf32> to vector<1000x256xf32>
    %add3A_84 = arith.addf %dot_general3A_79, %add3A_83 : vector<1000x256xf32>
    %max3A_85 = arith.constant 0.000000e+00 : f32
    %max3A_86 = vector.broadcast %max3A_85 : f32 to vector<1000x256xf32>
    %max3A_87 = arith.maximumf %add3A_84, %max3A_86 : vector<1000x256xf32>
    %get3A_88 = arith.constant 0 : index
    %get3A_89 = arith.constant 0 : index
    %get3A_90 = vector.load %arg19[%get3A_88, %get3A_89] : memref<256x128xf32, #tpu.memory_space<vmem>>, vector<256x128xf32>
    %dot_general3A_91 = arith.constant dense<0.000000e+00> : vector<1000x128xf32>
    %dot_general3A_92 = tpu.matmul %max3A_87, %get3A_90, %dot_general3A_91 {dimension_numbers = #tpu.dot_dimension_numbers<[1], [0], [0], [1], [0, 0, 1, 1], [], []>, transpose_lhs_hint = false} : vector<1000x256xf32>, vector<256x128xf32>, vector<1000x128xf32> -> vector<1000x128xf32>
    %get3A_93 = arith.constant 0 : index
    %get3A_94 = arith.constant 0 : index
    %get3A_95 = vector.load %arg20[%get3A_93, %get3A_94] : memref<1x128xf32, #tpu.memory_space<vmem>>, vector<1x128xf32>
    %add3A_96 = vector.broadcast %get3A_95 : vector<1x128xf32> to vector<1000x128xf32>
    %add3A_97 = arith.addf %dot_general3A_92, %add3A_96 : vector<1000x128xf32>
    %swap3A = arith.constant 0 : index
    %swap3A_98 = arith.constant 0 : index
    %swap3A_99 = vector.load %arg21[%swap3A, %swap3A_98] : memref<1000x128xf32, #tpu.memory_space<vmem>>, vector<1000x128xf32>
    tpu.vector_store %arg21[%swap3A, %swap3A_98], %add3A_97 {strides = array<i32>} : memref<1000x128xf32, #tpu.memory_space<vmem>>, vector<1000x128xf32>,
    return
  }
  func.func @transform_0(%arg0: i32) -> (i32, i32) {
    %c0_i32 = arith.constant 0 : i32
    %c0_i32_0 = arith.constant 0 : i32
    return %arg0, %c0_i32 : i32, i32
  }
  func.func @transform_1(%arg0: i32) -> (i32, i32) {
    %c0_i32 = arith.constant 0 : i32
    %c0_i32_0 = arith.constant 0 : i32
    return %arg0, %c0_i32 : i32, i32
  }
  func.func @transform_2(%arg0: i32) -> (i32, i32) {
    %c0_i32 = arith.constant 0 : i32
    %c0_i32_0 = arith.constant 0 : i32
    return %arg0, %c0_i32 : i32, i32
  }
  func.func @transform_3(%arg0: i32) -> (i32, i32) {
    %c0_i32 = arith.constant 0 : i32
    %c0_i32_0 = arith.constant 0 : i32
    return %arg0, %c0_i32 : i32, i32
  }
  func.func @transform_4(%arg0: i32) -> (i32, i32) {
    %c0_i32 = arith.constant 0 : i32
    %c0_i32_0 = arith.constant 0 : i32
    return %arg0, %c0_i32 : i32, i32
  }
  func.func @transform_5(%arg0: i32) -> (i32, i32) {
    %c0_i32 = arith.constant 0 : i32
    %c0_i32_0 = arith.constant 0 : i32
    return %arg0, %c0_i32 : i32, i32
  }
  func.func @transform_6(%arg0: i32) -> (i32, i32) {
    %c0_i32 = arith.constant 0 : i32
    %c0_i32_0 = arith.constant 0 : i32
    return %arg0, %c0_i32 : i32, i32
  }
  func.func @transform_7(%arg0: i32) -> (i32, i32) {
    %c0_i32 = arith.constant 0 : i32
    %c0_i32_0 = arith.constant 0 : i32
    return %arg0, %c0_i32 : i32, i32
  }
  func.func @transform_8(%arg0: i32) -> (i32, i32) {
    %c0_i32 = arith.constant 0 : i32
    %c0_i32_0 = arith.constant 0 : i32
    return %arg0, %c0_i32 : i32, i32
  }
  func.func @transform_9(%arg0: i32) -> (i32, i32) {
    %c0_i32 = arith.constant 0 : i32
    %c0_i32_0 = arith.constant 0 : i32
    return %arg0, %c0_i32 : i32, i32
  }
  func.func @transform_10(%arg0: i32) -> (i32, i32) {
    %c0_i32 = arith.constant 0 : i32
    %c0_i32_0 = arith.constant 0 : i32
    return %arg0, %c0_i32 : i32, i32
  }
  func.func @transform_11(%arg0: i32) -> (i32, i32) {
    %c0_i32 = arith.constant 0 : i32
    %c0_i32_0 = arith.constant 0 : i32
    %c0_i32_1 = arith.constant 0 : i32
    return %c0_i32, %c0_i32_0 : i32, i32
  }
  func.func @transform_12(%arg0: i32) -> (i32, i32) {
    %c0_i32 = arith.constant 0 : i32
    %c0_i32_0 = arith.constant 0 : i32
    %c0_i32_1 = arith.constant 0 : i32
    return %c0_i32, %c0_i32_0 : i32, i32
  }
  func.func @transform_13(%arg0: i32) -> (i32, i32) {
    %c0_i32 = arith.constant 0 : i32
    %c0_i32_0 = arith.constant 0 : i32
    %c0_i32_1 = arith.constant 0 : i32
    return %c0_i32, %c0_i32_0 : i32, i32
  }
  func.func @transform_14(%arg0: i32) -> (i32, i32) {
    %c0_i32 = arith.constant 0 : i32
    %c0_i32_0 = arith.constant 0 : i32
    %c0_i32_1 = arith.constant 0 : i32
    return %c0_i32, %c0_i32_0 : i32, i32
  }
  func.func @transform_15(%arg0: i32) -> (i32, i32) {
    %c0_i32 = arith.constant 0 : i32
    %c0_i32_0 = arith.constant 0 : i32
    %c0_i32_1 = arith.constant 0 : i32
    return %c0_i32, %c0_i32_0 : i32, i32
  }
  func.func @transform_16(%arg0: i32) -> (i32, i32) {
    %c0_i32 = arith.constant 0 : i32
    %c0_i32_0 = arith.constant 0 : i32
    %c0_i32_1 = arith.constant 0 : i32
    return %c0_i32, %c0_i32_0 : i32, i32
  }
  func.func @transform_17(%arg0: i32) -> (i32, i32) {
    %c0_i32 = arith.constant 0 : i32
    %c0_i32_0 = arith.constant 0 : i32
    %c0_i32_1 = arith.constant 0 : i32
    return %c0_i32, %c0_i32_0 : i32, i32
  }
  func.func @transform_18(%arg0: i32) -> (i32, i32) {
    %c0_i32 = arith.constant 0 : i32
    %c0_i32_0 = arith.constant 0 : i32
    %c0_i32_1 = arith.constant 0 : i32
    return %c0_i32, %c0_i32_0 : i32, i32
  }
  func.func @transform_19(%arg0: i32) -> (i32, i32) {
    %c0_i32 = arith.constant 0 : i32
    %c0_i32_0 = arith.constant 0 : i32
    %c0_i32_1 = arith.constant 0 : i32
    return %c0_i32, %c0_i32_0 : i32, i32
  }
  func.func @transform_20(%arg0: i32) -> (i32, i32) {
    %c0_i32 = arith.constant 0 : i32
    %c0_i32_0 = arith.constant 0 : i32
    return %arg0, %c0_i32 : i32, i32
  }
}

</mosaic_0001>

<sc_bundles>
// kernel: kernel.6.cloned.1.call-start
scs
__scs_entry_jumppad:
0x0: {  	(pc) =	sbr.rel $0x88, $3  }
0x1: {  	(tag) =	ssettag $0x0;
	lr =	simm.s32 $0x1  }
0x2: {  	[smem:$0x3F93] =	sst lr;
	_ =	strace $0xD0000000  }
0x3: {  	_ = 	snop  }
0x4: {  	_ = 	snop  }
0x5: {  	_ = 	snop  }
0x6: {  	_ = 	snop  }
0x7: {  	_ = 	snop  }
__scs_overlays_trampoline_lowered:
0x8: {  	[smem:$0x3FA2] =	sst s0  }
0x9: {  	[smem:$0x3FA3] =	sst s1  }
0xa: {  	[smem:$0x3FA4] =	sst s2  }
0xb: {  	[smem:$0x3FA5] =	sst s3  }
0xc: {  	[smem:$0x3FA6] =	sst s4  }
0xd: {  	[smem:$0x3FA7] =	sst s5  }
0xe: {  	[smem:$0x3FA8] =	sst s6  }
0xf: {  	[smem:$0x3FA9] =	sst s7  }
0x10: {  	[smem:$0x3FAA] =	sst s8  }
0x11: {  	[smem:$0x3FAB] =	sst s9;
	s0 =	simm.s32 @!p0 $0x0  }
0x12: {  	s1 =	sld [smem:$0x3F91];
	s0 =	simm.s32 @p0 $0x1  }
0x13: {  	[smem:$0x3FAC] =	sst s0;
	s0 =	simm.s32 @!p1 $0x0  }
0x14: {  	s2 =	sld [smem:$0x3F90];
	s0 =	simm.s32 @p1 $0x1  }
0x15: {  	[smem:$0x3FAD] =	sst s0;
	s0 =	simm.s32 @!p2 $0x0  }
0x16: {  	s3 =	sld [smem:$0x3FDB];
	s0 =	simm.s32 @p2 $0x1  }
0x17: {  	s4 =	simm.s32 $0x1BF5;
	[smem:$0x3FAF] =	sst s0  }
0x18: {  	s0 =	sld [smem:$0x3F92];
	_ =	swait.ge [sflag:s4], $0x0  }
0x19: {  	s7 =	sld [smem:$0x3F93]  }
0x1a: {  	s8 =	sadd.s32 $0xFFFFE003, lr  }
0x1b: {  	s9 =	sadd.s32 $0xFFFFFEF7, lr;
	s5 =	simm.s32 $0xFFFFFFFF;
	p2 =	slt.u32 s8, $0xFFFFF086  }
0x1c: {  	p1 =	slt.u32 s9, $0xF7A;
	s5 =	simm.s32 @!p2 $0x0  }
0x1d: {  	s5 =	simm.s32 @p1 $0x1;
	p0 =	seq.s32 s7, s2  }
0x1e: {  	s7 =	smul.u32 @!p0 $0xF7A, s2;
	p2 =	seq.s32 @!p0 s5, $0x0  }
0x1f: {  	s9 =	smul.u32 $0xF7A, s1;
	s8 =	simm.s32 @!p0 $0x1BF5;
	p2 =	por !p2, p0  }
0x20: {  	[sflag:s8] =	ssyncset.s32 @!p0 $0xFFFFF086;
	s6 =	sadd.s32 @!p0 s3, s7;
	s7 =	simm.s32 @!p0 $0x108  }
0x21: {  	s3 =	sadd.s32 s3, s9;
	s6 =	sadd.s32 @!p0 $0x88, s6;
	s7 =	simm.s32 @p2 $0x1082  }
0x22: {  	[simem:s7], [sflag:s8] =	dma.local @!p0 [hbm:s6], $0xF7A  }
0x23: {  	s9 =	sor.u32 $0xD0000000, s2;
	s6 =	simm.s32 $0x108;
	_ =	swait.ge @!p0 [sflag:s8], $0x0  }
0x24: {  	s3 =	sadd.s32 $0x88, s3;
	s6 =	simm.s32 @!p1 $0x1082;
	[sflag:s4] =	ssyncset.s32 $0xFFFFF086  }
0x25: {  	[simem:s6], [sflag:s4] =	dma.local [hbm:s3], $0xF7A  }
0x26: {  	[smem:$0x3F93] =	sst s1;
	(tag) =	ssettag s2;
	_ =	strace s9  }
0x27: {  	s1 =	sld [smem:$0x3FA3]  }
0x28: {  	s2 =	sld [smem:$0x3FA4]  }
0x29: {  	s4 =	sld [smem:$0x3FA6]  }
0x2a: {  	p0 =	seq.s32 s5, $0x0;
	s5 =	sld [smem:$0x3FA7]  }
0x2b: {  	s6 =	sld [smem:$0x3FA8]  }
0x2c: {  	s7 =	sld [smem:$0x3FA9]  }
0x2d: {  	s3 =	simm.s32 $0x108;
	s8 =	sld [smem:$0x3FAA]  }
0x2e: {  	s3 =	simm.s32 @!p0 $0x1082;
	s9 =	sld [smem:$0x3FAB]  }
0x2f: {  	lr =	sadd.s32 s0, s3;
	s0 =	sld [smem:$0x3FA2]  }
0x30: {  	s3 =	sld [smem:$0x3FA5]  }
0x31: {  	[smem:$0x3FAE] =	sst s10  }
0x32: {  	s10 =	sld [smem:$0x3FAC];
	_ =	sdelay $0x3  }
0x33: {  	p0 =	seq.s32 s10, $0x1;
	s10 =	sld [smem:$0x3FAE];
	_ =	sdelay $0x3  }
0x34: {  	[smem:$0x3FAE] =	sst s10  }
0x35: {  	s10 =	sld [smem:$0x3FAD];
	_ =	sdelay $0x3  }
0x36: {  	p1 =	seq.s32 s10, $0x1;
	s10 =	sld [smem:$0x3FAE];
	_ =	sdelay $0x3  }
0x37: {  	[smem:$0x3FAE] =	sst s10  }
0x38: {  	s10 =	sld [smem:$0x3FAF]  }
0x39: {  	_ = 	snop;
	(pc) =	sbr.ind lr, $3  }
0x3a: {  	_ = 	snop  }
0x3b: {  	_ = 	snop  }
0x3c: {  	p2 =	seq.s32 s10, $0x1;
	s10 =	sld [smem:$0x3FAE]  }
0x3d: {  	_ =	shalt  }
0x3e: {  	_ =	shalt  }
0x3f: {  	_ =	shalt  }
0x40: {  	_ =	shalt  }
0x41: {  	_ =	shalt  }
0x42: {  	_ =	shalt  }
0x43: {  	_ =	shalt  }
0x44: {  	_ =	shalt  }
0x45: {  	_ =	shalt  }
0x46: {  	_ =	shalt  }
0x47: {  	_ =	shalt  }
0x48: {  	_ =	shalt  }
0x49: {  	_ =	shalt  }
0x4a: {  	_ =	shalt  }
0x4b: {  	_ =	shalt  }
0x4c: {  	_ =	shalt  }
0x4d: {  	_ =	shalt  }
0x4e: {  	_ =	shalt  }
0x4f: {  	_ =	shalt  }
0x50: {  	_ =	shalt  }
0x51: {  	_ =	shalt  }
0x52: {  	_ =	shalt  }
0x53: {  	_ =	shalt  }
0x54: {  	_ =	shalt  }
0x55: {  	_ =	shalt  }
0x56: {  	_ =	shalt  }
0x57: {  	_ =	shalt  }
0x58: {  	_ =	shalt  }
0x59: {  	_ =	shalt  }
0x5a: {  	_ =	shalt  }
0x5b: {  	_ =	shalt  }
0x5c: {  	_ =	shalt  }
0x5d: {  	_ =	shalt  }
0x5e: {  	_ =	shalt  }
0x5f: {  	_ =	shalt  }
0x60: {  	_ =	shalt  }
0x61: {  	_ =	shalt  }
0x62: {  	_ =	shalt  }
0x63: {  	_ =	shalt  }
0x64: {  	_ =	shalt  }
0x65: {  	_ =	shalt  }
0x66: {  	_ =	shalt  }
0x67: {  	_ =	shalt  }
0x68: {  	_ =	shalt  }
0x69: {  	_ =	shalt  }
0x6a: {  	_ =	shalt  }
0x6b: {  	_ =	shalt  }
0x6c: {  	_ =	shalt  }
0x6d: {  	_ =	shalt  }
0x6e: {  	_ =	shalt  }
0x6f: {  	_ =	shalt  }
0x70: {  	_ =	shalt  }
0x71: {  	_ =	shalt  }
0x72: {  	_ =	shalt  }
0x73: {  	_ =	shalt  }
0x74: {  	_ =	shalt  }
0x75: {  	_ =	shalt  }
0x76: {  	_ =	shalt  }
0x77: {  	_ =	shalt  }
0x78: {  	_ =	shalt  }
0x79: {  	_ =	shalt  }
0x7a: {  	_ =	shalt  }
0x7b: {  	_ =	shalt  }
0x7c: {  	_ =	shalt  }
0x7d: {  	_ =	shalt  }
0x7e: {  	_ =	shalt  }
0x7f: {  	_ =	shalt  }
0x80: {  	_ =	shalt  }
0x81: {  	_ =	shalt  }
0x82: {  	_ =	shalt  }
0x83: {  	_ =	shalt  }
0x84: {  	_ =	shalt  }
0x85: {  	_ =	shalt  }
0x86: {  	_ =	shalt  }
0x87: {  	_ =	shalt  }
.Lfunc_end0:
.L_simem_size_0:
called_computation_lowered:
.L_overlay_start_0:
0x88: {  	s2 =	sld [smem:$0x3FD9]  }
0x89: {  	s3 =	sld [smem:$0x3FFE];
	_ =	sdelay $0x1  }
0x8a: {  	s1 =	srdreg.scid  }
0x8b: {  	s0 =	sand.u32 $0x1, s1  }
0x8c: {  	s17 =	sshll.u32 s0, $0xA;
	s2 =	sadd.s32 s3, s2  }
0x8d: {  	s2 =	sadd.s32 s2, s17  }
0x8e: {  	[smem:$0x3FBA] =	sst s2  }
0x8f: {  	_ = 	snop  }
0x90: {  	s2 =	sld [smem:$0x3FC9]  }
0x91: {  	s18 =	sld [smem:$0x3FD0];
	(tm) =	ssettm $0x1  }
0x92: {  	s4 =	sld [smem:$0x3FFB];
	_ =	sdelay $0x3  }
0x93: {  	_ =	strace s4  }
0x94: {  	s4 =	sld [smem:$0x3FFC];
	_ =	sdelay $0x3  }
0x95: {  	_ =	strace s4  }
0x96: {  	s4 =	sld [smem:$0x3FFD];
	_ =	sdelay $0x3  }
0x97: {  	_ =	strace s4  }
0x98: {  	_ =	strace $0x8FFFFFFF  }
0x99: {  	s19 =	sld [smem:$0x3FDB];
	_ =	sdelay $0x1  }
0x9a: {  	s5 =	simm.s32 $_scs_section_size  }
0x9b: {  	s6 =	simm.s32 $_size__tile_overlayer_lowered;
	s7 =	simm.s32 $_tile_overlayer_lowered  }
0x9c: {  	s22 =	simm.s32 $0x1BFF;
	s21 =	sshll.u32 s7, $0x1;
	s4 =	sadd.s32 s5, s19  }
0x9d: {  	s8 =	simm.s32 $0x0;
	s20 =	sshll.u32 s6, $0x1;
	s6 =	sadd.s32 s21, s4  }
0x9e: {  	[timem:s8], [sflag:s22] =	dma.local [hbm:s6], s20  }
0x9f: {  	_ =	swait.ge [sflag:s22], s20  }
0xa0: {  	s5 =	ssub.s32 $0x0, s20;
	[sflag:s22] =	ssyncset.done $0x0  }
0xa1: {  	[sflag:s22] =	ssyncadd.s32 s5;
	_ =	sdelay $0x1  }
0xa2: {  	s23 =	simm.s32 $0x1B8B  }
0xa3: {  	_ =	swait.ge [sflag:s23], $0x1  }
0xa4: {  	[sflag:s23] =	ssyncset.done $0x0  }
0xa5: {  	s25 =	simm.s32 $0x1B8E;
	s24 =	sld [smem:$0x3FFE];
	[sflag:s23] =	ssyncadd.s32 $0xFFFFFFFF  }
0xa6: {  	s26 =	simm.s32 $execute0_lowered;
	[smem:$0x3FD2] =	sst s25  }
0xa7: {  	s6 =	sshll.u32 s26, $0x1;
	_ =	strace $0x80000046;
	[dreg:$0x1] =	wrdreg $0xFFFFFFFF  }
0xa8: {  	s28 =	simm.s32 $_size_execute0_lowered;
	s4 =	sadd.s32 s4, s6;
	[dreg:$0x0] =	wrdreg $0x0  }
0xa9: {  	s6 =	sshll.u32 s28, $0x1;
	[dreg:$0x2] =	wrdreg s4  }
0xaa: {  	[dreg:$0x3] =	wrdreg s6  }
0xab: {  	[dreg:$0x4] =	wrdreg $0xC0  }
0xac: {  	_ =	task [dreg:s8], $0x5FFFF  }
0xad: {  	[dreg:$0x1] =	wrdreg $0xFFFFFFFF  }
0xae: {  	[dreg:$0x0] =	wrdreg $0x60  }
0xaf: {  	[dreg:$0x2] =	wrdreg s2  }
0xb0: {  	[dreg:$0x3] =	wrdreg s24  }
0xb1: {  	[dreg:$0x4] =	wrdreg s18  }
0xb2: {  	[dreg:$0x5] =	wrdreg $0x9  }
0xb3: {  	_ =	task.clear_ibuf [dreg:s8], $0x6FFFF;
	_ =	strace $0x90000046  }
0xb4: {  	s29 =	simm.s32 $0x9;
	_ =	strace $0x80000048  }
0xb5: {  	_ =	swait.ge [sflag:s29], $0x1  }
0xb6: {  	[sflag:s29] =	ssyncadd.s32 $0xFFFFFFFF  }
0xb7: {  	_ =	strace $0x90000048  }
0xb8: {  	_ =	sfence  }
0xb9: {  	s30 =	sld [smem:$0x0];
	_ =	sdelay $0x2  }
0xba: {  	s31 =	sshll.u32 s1, $0xD;
	s1 =	sshrl.u32 s1, $0x2  }
0xbb: {  	s3 =	sand.u32 $0x4000, s31;
	s1 =	sadd.s32 s1, s30  }
0xbc: {  	s0 =	sor.u32 s3, s0;
	s1 =	sshll.u32 s1, $0x11  }
0xbd: {  	s0 =	sor.u32 s1, s0  }
0xbe: {  	s0 =	sadd.s32 $0x8F2B, s0  }
0xbf: {  	[sflag:s0] =	ssyncadd.remote.s32 $0x1  }
0xc0: {  	_ =	sfence.sel $0xFFFF  }
0xc1: {  	[dreg:$0x0] =	wrdreg $0xFFFFFFFF;
	(pc) =	sbr.abs _section_cstart, $3  }
0xc2: {  	[dreg:$0x1] =	wrdreg $0xFFFFFFFF  }
0xc3: {  	_ =	task.clear_ibuf [dreg:s8], $0x2FFFF;
	_ =	strace $0x9FFFFFFF  }
0xc4: {  	(tm) =	ssettm $0x7FFFFFFF  }
0xc5: {  	_ =	shalt  }
tec
execute0_lowered:
.L_overlay_start_1:
0x0: {  	(tag) =	ssettag $0x1  }
0x1: {  	s1 =	rddreg [dreg:$0x0]  }
0x2: {  	s7 =	rddreg [dreg:$0x1]  }
0x3: {  	s2 =	rddreg [dreg:$0x2]  }
0x4: {  	s0 =	rddreg [dreg:$0x3]  }
0x5: {  	s4 =	simm.s32 $0x0;
	s5 =	srdreg.scid;
	s3 =	stileid.u32  }
0x6: {  	s12 =	simm.s32 $0xC8;
	s13 =	simm.s32 $0x200;
	s14 =	simm.s32 $0x1  }
0x7: {  	s15 =	simm.s32 $0x6600;
	s16 =	simm.s32 $0xCA00;
	s17 =	simm.s32 $0x0  }
0x8: {  	[smem:$0x7FF] =	sst s4;
	s8 =	sand.u32 $0x1, s5;
	s5 =	sadd.s32 $0x2E00, s7  }
0x9: {  	s10 =	sshll.u32 s3, $0x1;
	s6 =	sadd.s32 $0xCC00, s7;
	s9 =	ssub.s32 $0x2, s8  }
0xa: {  	s7 =	sadd.s32 $0x4EEC00, s7;
	_ =	strace $0x80000047;
	s11 =	sshrl.u32 s9, $0x1  }
0xb: {  	s8 =	sor.u32 s8, s10;
	s10 =	simm.s32 $0x2;
	s9 =	ssub.s32 s9, s11  }
0xc: {  	s8 =	smul.u32 $0x2710, s8;
	s11 =	simm.s32 $0x100;
	s9 =	smax.u32 s9, $0x1  }
.LBB2_1:
0xd: {  	s18 =	simm.s32 $0x0  }
.LBB2_2:
0xe: {  	s19 =	smul.u32 $0xC8, s18;
	_ =	sdelay $0x1  }
0xf: {  	s19 =	sadd.s32 s8, s19  }
0x10: {  	s20 =	sshrl.u32 s19, $0x3  }
0x11: {  	s22 =	simm.s32 $0x0;
	s21 =	sadd.s32 s5, s20  }
0x12: {  	[tilespmem:s22], [sflag:$0x2] =	stream.linear.gather [hbm4b:s21+s22], $0xC8, $0x38;
	[tilespmem:$0x12E00] =	vst v63  }
0x13: {  	_ =	swait.ge [sflag:s10], $0xC8  }
0x14: {  	[sflag:s10] =	ssyncset.done $0x0  }
0x15: {  	s20 =	sadd.s32 s2, s20;
	[sflag:s10] =	ssyncadd.s32 $0xFFFFFF38  }
0x16: {  	[tilespmem:s11], [sflag:$0x2] =	stream.linear.gather [hbm4b:s20+s22], $0xC8, $0x38;
	[tilespmem:$0x12E00] =	vst v63  }
0x17: {  	_ =	swait.ge [sflag:s10], $0xC8  }
0x18: {  	[sflag:s10] =	ssyncset.done $0x0  }
0x19: {  	[sflag:s10] =	ssyncadd.s32 $0xFFFFFF38  }
0x1a: {  	[tilespmem:s13], [sflag:$0x1] =	stream.indirect.gather [hbm4b:s1+s12], $0x80, s22, s12, $0xb8;
	[tilespmem:$0x12E00] =	vst v63  }
0x1b: {  	_ =	swait.ge [sflag:s14], $0x6400  }
0x1c: {  	[sflag:s14] =	ssyncset.done $0x0  }
0x1d: {  	[sflag:s14] =	ssyncadd.s32 $0xFFFF9C00  }
0x1e: {  	[tilespmem:s15], [sflag:$0x1] =	stream.indirect.gather [hbm4b:s1+s12], $0x80, s11, s12, $0xb8;
	[tilespmem:$0x12E00] =	vst v63  }
0x1f: {  	_ =	swait.ge [sflag:s14], $0x6400  }
0x20: {  	[sflag:s14] =	ssyncset.done $0x0  }
0x21: {  	s20 =	simm.s32 $0x0;
	[sflag:s14] =	ssyncadd.s32 $0xFFFF9C00  }
0x22: {  	v0 =	vld [tilespmem:s20+$0x200]  }
0x23: {  	v1 =	vld [tilespmem:s20+$0x6600];
	_ =	sdelay $0x3  }
0x24: {  	s21 =	simm.s32 $0x80  }
0x25: {  	v2 =	vld [tilespmem:s21+$0x6600];
	v1 =	vsub.f32 v0, v1  }
0x26: {  	v0 =	vld [tilespmem:s21+$0x200]  }
0x27: {  	v3 =	vadd.f32 $-1.000000000e+00, v1  }
0x28: {  	vm0 =	vgt.f32 v1, $5.000000000e-01  }
0x29: {  	s22 =	simm.s32 $0x400;
	v1 =	vsel vm0, v3, v1  }
.LBB2_3:
0x2a: {  	s23 =	sshra.s32 s22, $0x2;
	v3 =	vxor.u32 $0x80000000, v1;
	v4 =	vadd.f32 $1.000000000e+00, v1;
	p0 =	sne.s32 s22, $0x18E00  }
.Ltmp0:
0x2b: {  	s22 =	sadd.s32 $0x200, s22;
	v5 =	vsub.f32 v0, v2;
	v0 =	vld [tilespmem:s23+$0x200];
	vm0 =	vgt.f32 v3, $5.000000000e-01;
	(pc) =	sbr.rel @p0 .LBB2_3-.Ltmp0, $4  }
0x2c: {  	v2 =	vld [tilespmem:s23+$0x6600];
	v1 =	vsel vm0, v4, v1  }
0x2d: {  	v3 =	vadd.f32 $-1.000000000e+00, v5;
	[tilespmem:s20+$0xCA00] =	vst v1;
	s20 =	smov.u32 s21;
	s21 =	smov.u32 s23  }
0x2e: {  	vm0 =	vgt.f32 v5, $5.000000000e-01  }
0x2f: {  	v1 =	vsel vm0, v3, v5  }
0x30: {  	_ = 	snop  }
0x31: {  	v0 =	vsub.f32 v0, v2;
	_ =	sdelay $0x1  }
0x32: {  	v2 =	vadd.f32 $-1.000000000e+00, v0  }
0x33: {  	vm0 =	vgt.f32 v0, $5.000000000e-01  }
0x34: {  	v3 =	vxor.u32 $0x80000000, v1;
	v4 =	vadd.f32 $1.000000000e+00, v1;
	v0 =	vsel vm0, v2, v0  }
0x35: {  	vm14 =	vgt.f32 v3, $5.000000000e-01;
	v2 =	vxor.u32 $0x80000000, v0;
	v63 =	vadd.f32 $1.000000000e+00, v0  }
0x36: {  	v1 =	vsel vm14, v4, v1;
	vm15 =	vgt.f32 v2, $5.000000000e-01  }
0x37: {  	s19 =	sshll.u32 s19, $0x4;
	[tilespmem:s20+$0xCA00] =	vst v1;
	v0 =	vsel vm15, v63, v0  }
0x38: {  	s31 =	sadd.s32 s6, s19;
	[tilespmem:s21+$0xCA00] =	vst v0  }
0x39: {  	[hbm4b:s31+s4] =	stream.linear.scatter [tilespmem:s13], [sflag:$0x2], $0x6400, $0x38;
	[tilespmem:$0x12E00] =	vst v63  }
0x3a: {  	s18 =	sadd.s32 $0x1, s18;
	_ =	swait.ge [sflag:s10], $0x6400  }
0x3b: {  	p0 =	sne.s32 s18, $0x32;
	[sflag:s10] =	ssyncset.done $0x0  }
.Ltmp1:
0x3c: {  	s19 =	sadd.s32 s7, s19;
	[sflag:s10] =	ssyncadd.s32 $0xFFFF9C00;
	(pc) =	sbr.rel @p0 .LBB2_2-.Ltmp1, $4  }
0x3d: {  	[hbm4b:s19+s4] =	stream.linear.scatter [tilespmem:s16], [sflag:$0x2], $0x6400, $0x38;
	[tilespmem:$0x12E00] =	vst v63  }
0x3e: {  	_ =	swait.ge [sflag:s10], $0x6400  }
0x3f: {  	[sflag:s10] =	ssyncset.done $0x0  }
0x40: {  	[sflag:s10] =	ssyncadd.s32 $0xFFFF9C00  }
0x41: {  	s17 =	sadd.s32 $0x1, s17  }
0x42: {  	p0 =	sne.s32 s17, s9  }
.Ltmp2:
0x43: {  	_ = 	snop;
	(pc) =	sbr.rel @p0 .LBB2_1-.Ltmp2, $1  }
0x44: {  	_ =	sdelay $0x3  }
0x45: {  	_ =	sfence.sel $0x180000  }
0x46: {  	[bflag:$0x0] =	sbarrier.arrive $0xFFFF  }
0x47: {  	p0 =	sne.s32 s3, $0x0;
	_ =	strace $0x90000047  }
0x48: {  	s0 =	sadd.s32 @!p0 $0x100000, s0;
	[bflag:$0x2] =	sbarrier.arrive $0xFFFF  }
0x49: {  	[sflag:s0] =	ssyncadd.tile.s32 @!p0 $0x1;
	_ =	shalt  }
.Lfunc_end2:
_tile_overlayer_lowered:
.L_overlay_start_2:
0x4a: {  	(tag) =	ssettag $0x2  }
0x4b: {  	s0 =	rddreg [dreg:$0x0];
	s2 =	stileid.u32  }
0x4c: {  	s1 =	rddreg [dreg:$0x1];
	p0 =	sne.s32 s2, $0x0  }
0x4d: {  	s3 =	rddreg [dreg:$0x2];
	[bflag:$0x3] =	sbarrier.arrive $0xFFFF;
	s2 =	simm.s32 @!p0 $0x1C02  }
0x4e: {  	[timem:s3], [sflag:s2] =	dma.local @!p0 [hbm:s0], s1  }
0x4f: {  	s0 =	simm.s32 @!p0 $0x2  }
0x50: {  	_ =	swait.ge @!p0 [sflag:s0], s1  }
0x51: {  	s1 =	ssub.s32 @!p0 $0x0, s1;
	[sflag:s0] =	ssyncset.done @!p0 $0x0  }
0x52: {  	[sflag:s0] =	ssyncadd.s32 @!p0 s1  }
0x53: {  	[bflag:$0x3] =	sbarrier.arrive $0xFFFF  }
0x54: {  	_ =	shalt  }

</sc_bundles>
